<compile_context>
chip_gen: v7x
topology: tpu7x:2x2x1
jax: 0.10.2.dev20260603
libtpu: 0.0.44.dev20260713+nightly
codegen_flags: <defaults>
</compile_context>

<pallas_src>
import functools
import jax
import jax.numpy as jnp
from jax import lax
from jax.experimental import pallas as pl
from jax.experimental.pallas import tpu as pltpu, tpu_sc as plsc

B = 1024
L = 200
D = 128
N = B * L
NC = 2
NS = 16
NW = NC * NS
CHUNK = 128
NB = B // CHUNK
LG = NW // NB
LPG = L // LG
NG = LPG // 2
LANES = 16
SEG = D // LANES


def _sc_kernel(tok_hbm, idx_hbm, pos_hbm, out_hbm,
               idx_v, pos_v, ibase_v, oidx_v, g0, g1, s0, s1,
               gsem0, gsem1, ssem0, ssem1):
    wid = lax.axis_index("s") * NC + lax.axis_index("c")
    cblk = wid // LG
    lgrp = lax.rem(wid, LG)

    gbuf = (g0, g1)
    sbuf = (s0, s1)
    gsem = (gsem0, gsem1)
    ssem = (ssem0, ssem1)

    pltpu.async_copy(pos_hbm.at[lgrp], pos_v, ssem1)
    pltpu.sync_copy(idx_hbm.at[wid, pl.ds(0, 8)], idx_v.at[pl.ds(0, 8)])

    pltpu.async_copy(tok_hbm.at[idx_v.at[0]], g0, gsem0)
    pltpu.async_copy(tok_hbm.at[idx_v.at[1]], g1, gsem1)

    pltpu.sync_copy(idx_hbm.at[wid], idx_v)
    pltpu.make_async_copy(pos_hbm.at[lgrp], pos_v, ssem1).wait()

    for s in range(SEG):
        ibase_v[pl.ds(s * LANES, LANES)] = (
            lax.iota(jnp.int32, LANES) + (s * LANES)) * L

    obase0 = cblk * (CHUNK * L) + lgrp * LPG

    def group_body(t, _):
        for p in range(2):
            k = t * 2 + p
            gb, sb = gbuf[p], sbuf[p]
            pltpu.make_async_copy(tok_hbm.at[idx_v.at[k]], gb, gsem[p]).wait()
            ps = [pos_v[k, pl.ds(s * LANES, LANES)] for s in range(SEG)]
            @pl.when(t > 0)
            def _wait_scatter():
                pltpu.make_async_copy(sb, out_hbm.at[oidx_v.at[p]],
                                      ssem[p]).wait()

            @plsc.parallel_loop(0, CHUNK, unroll=4)
            def _add(r):
                sls = [pl.ds(s * LANES, LANES) for s in range(SEG)]
                vals = [gb[r, sls[s]] + ps[s] for s in range(SEG)]
                for s in range(SEG):
                    sb[r, sls[s]] = vals[s]

            @pl.when(t < NG - 1)
            def _refill():
                pltpu.async_copy(tok_hbm.at[idx_v.at[k + 2]], gb, gsem[p])

            ob = obase0 + k
            for s in range(SEG):
                sl = pl.ds(s * LANES, LANES)
                oidx_v[p, sl] = ibase_v[sl] + ob
            pltpu.async_copy(sb, out_hbm.at[oidx_v.at[p]], ssem[p])
        return _

    lax.fori_loop(0, NG, group_body, 0)

    pltpu.make_async_copy(s0, out_hbm.at[oidx_v.at[0]], ssem0).wait()
    pltpu.make_async_copy(s1, out_hbm.at[oidx_v.at[1]], ssem1).wait()


def kernel(indices, token_table, pos_table):
    idx_b = (indices.astype(jnp.int32).T
             .reshape(L, NB, CHUNK).transpose(1, 0, 2)
             .reshape(NB, LG, LPG, CHUNK).reshape(NW, LPG, CHUNK))
    pos_block = pos_table[:L].reshape(LG, LPG, D)

    mesh = plsc.VectorSubcoreMesh(core_axis_name="c", subcore_axis_name="s")
    run = functools.partial(
        pl.kernel,
        mesh=mesh,
        out_type=jax.ShapeDtypeStruct((N, D), jnp.float32),
        scratch_types=[
            pltpu.VMEM((LPG, CHUNK), jnp.int32),
            pltpu.VMEM((LPG, D), jnp.float32),
            pltpu.VMEM((CHUNK,), jnp.int32),
            pltpu.VMEM((2, CHUNK), jnp.int32),
            pltpu.VMEM((CHUNK, D), jnp.float32),
            pltpu.VMEM((CHUNK, D), jnp.float32),
            pltpu.VMEM((CHUNK, D), jnp.float32),
            pltpu.VMEM((CHUNK, D), jnp.float32),
            pltpu.SemaphoreType.DMA,
            pltpu.SemaphoreType.DMA,
            pltpu.SemaphoreType.DMA,
            pltpu.SemaphoreType.DMA,
        ],
    )(_sc_kernel)
    out = run(token_table, idx_b, pos_block)
    return out.reshape(B, L, D)

# --- scband reference (transcript-rebuilt; emitter-appended) ---
"""Pipeline reference for scband-embeddings-46737834115184 (READ-ONLY COPY).

The authoritative reference and input builder live on the scoring server;
editing this copy changes nothing except your own understanding.
"""

import jax, jax.numpy as jnp
import numpy as np

VOCAB_SIZE = 100000
DIM_MODEL = 128
BATCH = 1024
SEQ_LEN = 200

def setup_inputs(seed: int = 0) -> dict:
    key = jax.random.key(seed)
    k1, k2, k3 = jax.random.split(key, 3)
    indices = jax.random.randint(k1, (BATCH, SEQ_LEN), 0, VOCAB_SIZE, dtype=jnp.int64 if jax.config.jax_enable_x64 else jnp.int32)
    token_table = jax.random.normal(k2, (VOCAB_SIZE, DIM_MODEL), dtype=jnp.float32) * 0.02
    pos_table = jax.random.normal(k3, (VOCAB_SIZE, DIM_MODEL), dtype=jnp.float32) * 0.02
    return {"indices": indices, "token_table": token_table, "pos_table": pos_table}

def reference(indices, token_table, pos_table):
    # tokens = token_embeddings(indices)  -> gather rows
    tokens = jnp.take(token_table, indices, axis=0)  # [B, L, D]
    seq_len = indices.shape[1]
    # positions = positional_embeddings(arange(L))
    positions = jnp.take(pos_table, jnp.arange(seq_len), axis=0)  # [L, D]
    return tokens + positions[None, :, :]

if __name__ == "__main__":
    import jax
    _d = setup_inputs()
    print(jax.jit(kernel)(*tuple(_d.values())))

</pallas_src>

<mosaic_0001>
#map = affine_map<(d0, d1) -> (0, 0)>
#map1 = affine_map<(d0, d1) -> (0, 0, 0)>
module attributes {stable_mosaic.version = 14 : i64} {
  func.func @_sc_kernel(%arg0: i32, %arg1: i32, %arg2: memref<100000x128xf32, #tpu.memory_space<hbm>>, %arg3: memref<32x50x128xi32, #tpu.memory_space<hbm>>, %arg4: memref<4x50x128xf32, #tpu.memory_space<hbm>>, %arg5: memref<204800x128xf32, #tpu.memory_space<hbm>>, %arg6: memref<50x128xi32, #tpu.memory_space<vmem>>, %arg7: memref<50x128xf32, #tpu.memory_space<vmem>>, %arg8: memref<128xi32, #tpu.memory_space<vmem>>, %arg9: memref<2x128xi32, #tpu.memory_space<vmem>>, %arg10: memref<128x128xf32, #tpu.memory_space<vmem>>, %arg11: memref<128x128xf32, #tpu.memory_space<vmem>>, %arg12: memref<128x128xf32, #tpu.memory_space<vmem>>, %arg13: memref<128x128xf32, #tpu.memory_space<vmem>>, %arg14: memref<!tpu.dma_semaphore, #tpu.memory_space<semaphore_mem>>, %arg15: memref<!tpu.dma_semaphore, #tpu.memory_space<semaphore_mem>>, %arg16: memref<!tpu.dma_semaphore, #tpu.memory_space<semaphore_mem>>, %arg17: memref<!tpu.dma_semaphore, #tpu.memory_space<semaphore_mem>>) attributes {dimension_semantics = [#tpu.dimension_semantics<core_parallel>, #tpu.dimension_semantics<subcore_parallel>], iteration_bounds = array<i64: 2, 16>, scalar_prefetch = 0 : i64, scratch_operands = 12 : i64, tpu.core_type = #tpu.core_type<sc_vector_subcore>, window_params = [{transform_indices = #map}, {transform_indices = #map1}, {transform_indices = #map1}, {transform_indices = #map}]} {
    %mul3A = arith.constant 2 : i32
    %mul3A_0 = arith.muli %arg1, %mul3A : i32
    %add3A = arith.addi %mul3A_0, %arg0 : i32
    %jit3A = arith.constant 4 : i32
    %div3A = arith.divsi %add3A, %jit3A : i32
    %sign3A = arith.constant 0 : i32
    %sign3A_1 = arith.cmpi sgt, %add3A, %sign3A : i32
    %sign3A_2 = arith.extui %sign3A_1 : i1 to i32
    %sign3A_3 = arith.constant 0 : i32
    %sign3A_4 = arith.cmpi slt, %add3A, %sign3A_3 : i32
    %sign3A_5 = arith.extui %sign3A_4 : i1 to i32
    %sign3A_6 = arith.subi %sign3A_2, %sign3A_5 : i32
    %sign3A_7 = arith.constant 0 : i32
    %sign3A_8 = arith.cmpi sgt, %jit3A, %sign3A_7 : i32
    %sign3A_9 = arith.extui %sign3A_8 : i1 to i32
    %sign3A_10 = arith.constant 0 : i32
    %sign3A_11 = arith.cmpi slt, %jit3A, %sign3A_10 : i32
    %sign3A_12 = arith.extui %sign3A_11 : i1 to i32
    %sign3A_13 = arith.subi %sign3A_9, %sign3A_12 : i32
    %ne3A = arith.cmpi ne, %sign3A_6, %sign3A_13 : i32
    %rem3A = arith.remsi %add3A, %jit3A : i32
    %ne3A_14 = arith.constant 0 : i32
    %ne3A_15 = arith.cmpi ne, %rem3A, %ne3A_14 : i32
    %and3A = arith.andi %ne3A, %ne3A_15 : i1
    %sub3A = arith.constant 1 : i32
    %sub3A_16 = arith.subi %div3A, %sub3A : i32
    %select_n3A = arith.select %and3A, %sub3A_16, %div3A : i32
    %rem3A_17 = arith.constant 4 : i32
    %rem3A_18 = arith.remsi %add3A, %rem3A_17 : i32
    %dma_start3A = arith.constant 0 : i32
    %dma_start3A_19 = arith.constant 0 : i32
    %dma_start3A_20 = tpu.memref_slice %arg4[%rem3A_18, %dma_start3A, %dma_start3A_19] : memref<4x50x128xf32, #tpu.memory_space<hbm>> -> memref<1x50x128xf32, #tpu.memory_space<hbm>>
    %dma_start3A_21 = tpu.memref_squeeze %dma_start3A_20 : memref<1x50x128xf32, #tpu.memory_space<hbm>> -> memref<50x128xf32, #tpu.memory_space<hbm>>
    %dma_start3A_22 = arith.constant 0 : i32
    %dma_start3A_23 = arith.constant 0 : i32
    %dma_start3A_24 = tpu.memref_slice %arg4[%rem3A_18, %dma_start3A_22, %dma_start3A_23] : memref<4x50x128xf32, #tpu.memory_space<hbm>> -> memref<1x50x128xf32, #tpu.memory_space<hbm>>
    %dma_start3A_25 = tpu.memref_squeeze %dma_start3A_24 : memref<1x50x128xf32, #tpu.memory_space<hbm>> -> memref<50x128xf32, #tpu.memory_space<hbm>>
    tpu.enqueue_dma source(%dma_start3A_25 : memref<50x128xf32, #tpu.memory_space<hbm>>) target(%arg7 : memref<50x128xf32, #tpu.memory_space<vmem>>) target_semaphore(%arg17 : memref<!tpu.dma_semaphore, #tpu.memory_space<semaphore_mem>>)
    "tpu.region"() ({
      %run_scoped3A = tpu.sem_alloc : memref<!tpu.dma_semaphore, #tpu.memory_space<semaphore_mem>>
      %dma_start3A_157 = arith.constant 0 : i32
      %dma_start3A_158 = arith.constant 0 : i32
      %dma_start3A_159 = tpu.memref_slice %arg6[%dma_start3A_157, %dma_start3A_158] : memref<50x128xi32, #tpu.memory_space<vmem>> -> memref<8x128xi32, #tpu.memory_space<vmem>>
      %dma_start3A_160 = arith.constant 0 : i32
      %dma_start3A_161 = arith.constant 0 : i32
      %dma_start3A_162 = tpu.memref_slice %arg3[%add3A, %dma_start3A_160, %dma_start3A_161] : memref<32x50x128xi32, #tpu.memory_space<hbm>> -> memref<1x8x128xi32, #tpu.memory_space<hbm>>
      %dma_start3A_163 = tpu.memref_squeeze %dma_start3A_162 : memref<1x8x128xi32, #tpu.memory_space<hbm>> -> memref<8x128xi32, #tpu.memory_space<hbm>>
      %dma_start3A_164 = arith.constant 0 : i32
      %dma_start3A_165 = arith.constant 0 : i32
      %dma_start3A_166 = tpu.memref_slice %arg6[%dma_start3A_164, %dma_start3A_165] : memref<50x128xi32, #tpu.memory_space<vmem>> -> memref<8x128xi32, #tpu.memory_space<vmem>>
      %dma_start3A_167 = arith.constant 0 : i32
      %dma_start3A_168 = arith.constant 0 : i32
      %dma_start3A_169 = tpu.memref_slice %arg3[%add3A, %dma_start3A_167, %dma_start3A_168] : memref<32x50x128xi32, #tpu.memory_space<hbm>> -> memref<1x8x128xi32, #tpu.memory_space<hbm>>
      %dma_start3A_170 = tpu.memref_squeeze %dma_start3A_169 : memref<1x8x128xi32, #tpu.memory_space<hbm>> -> memref<8x128xi32, #tpu.memory_space<hbm>>
      tpu.enqueue_dma source(%dma_start3A_170 : memref<8x128xi32, #tpu.memory_space<hbm>>) target(%dma_start3A_166 : memref<8x128xi32, #tpu.memory_space<vmem>>) target_semaphore(%run_scoped3A : memref<!tpu.dma_semaphore, #tpu.memory_space<semaphore_mem>>)
      %dma_wait3A_171 = arith.constant 0 : i32
      %dma_wait3A_172 = arith.constant 0 : i32
      %dma_wait3A_173 = tpu.memref_slice %arg6[%dma_wait3A_171, %dma_wait3A_172] : memref<50x128xi32, #tpu.memory_space<vmem>> -> memref<8x128xi32, #tpu.memory_space<vmem>>
      %dma_wait3A_174 = arith.constant 0 : i32
      %dma_wait3A_175 = arith.constant 0 : i32
      %dma_wait3A_176 = tpu.memref_slice %arg3[%add3A, %dma_wait3A_174, %dma_wait3A_175] : memref<32x50x128xi32, #tpu.memory_space<hbm>> -> memref<1x8x128xi32, #tpu.memory_space<hbm>>
      %dma_wait3A_177 = tpu.memref_squeeze %dma_wait3A_176 : memref<1x8x128xi32, #tpu.memory_space<hbm>> -> memref<8x128xi32, #tpu.memory_space<hbm>>
      %dma_wait3A_178 = arith.constant 0 : i32
      %dma_wait3A_179 = arith.constant 0 : i32
      %dma_wait3A_180 = tpu.memref_slice %arg6[%dma_wait3A_178, %dma_wait3A_179] : memref<50x128xi32, #tpu.memory_space<vmem>> -> memref<8x128xi32, #tpu.memory_space<vmem>>
      %dma_wait3A_181 = arith.constant 0 : i32
      %dma_wait3A_182 = arith.constant 0 : i32
      %dma_wait3A_183 = tpu.memref_slice %arg3[%add3A, %dma_wait3A_181, %dma_wait3A_182] : memref<32x50x128xi32, #tpu.memory_space<hbm>> -> memref<1x8x128xi32, #tpu.memory_space<hbm>>
      %dma_wait3A_184 = tpu.memref_squeeze %dma_wait3A_183 : memref<1x8x128xi32, #tpu.memory_space<hbm>> -> memref<8x128xi32, #tpu.memory_space<hbm>>
      tpu.wait_dma2 semaphore(%run_scoped3A : memref<!tpu.dma_semaphore, #tpu.memory_space<semaphore_mem>>) src(%dma_wait3A_184 : memref<8x128xi32, #tpu.memory_space<hbm>>) dst(%dma_wait3A_180 : memref<8x128xi32, #tpu.memory_space<vmem>>)
      tpu.yield
    }) : () -> ()
    %dma_start3A_26 = arith.constant 0 : i32
    %dma_start3A_27 = arith.constant 0 : i32
    %dma_start3A_28 = tpu.memref_slice %arg6[%dma_start3A_26, %dma_start3A_27] : memref<50x128xi32, #tpu.memory_space<vmem>> -> memref<1x128xi32, #tpu.memory_space<vmem>>
    %dma_start3A_29 = tpu.memref_squeeze %dma_start3A_28 : memref<1x128xi32, #tpu.memory_space<vmem>> -> memref<128xi32, #tpu.memory_space<vmem>>
    %dma_start3A_30 = arith.constant 0 : i32
    %dma_start3A_31 = arith.constant 0 : i32
    %dma_start3A_32 = tpu.memref_slice %arg2[%dma_start3A_30, %dma_start3A_31] : memref<100000x128xf32, #tpu.memory_space<hbm>> -> memref<100000x128xf32, #tpu.memory_space<hbm>>
    tpu.enqueue_indirect_dma source(%dma_start3A_32 : memref<100000x128xf32, #tpu.memory_space<hbm>>) target(%arg10 : memref<128x128xf32, #tpu.memory_space<vmem>>) offsets(%dma_start3A_29 : memref<128xi32, #tpu.memory_space<vmem>>) semaphore(%arg14 : memref<!tpu.dma_semaphore, #tpu.memory_space<semaphore_mem>>)
    %dma_start3A_33 = arith.constant 1 : i32
    %dma_start3A_34 = arith.constant 0 : i32
    %dma_start3A_35 = tpu.memref_slice %arg6[%dma_start3A_33, %dma_start3A_34] : memref<50x128xi32, #tpu.memory_space<vmem>> -> memref<1x128xi32, #tpu.memory_space<vmem>>
    %dma_start3A_36 = tpu.memref_squeeze %dma_start3A_35 : memref<1x128xi32, #tpu.memory_space<vmem>> -> memref<128xi32, #tpu.memory_space<vmem>>
    %dma_start3A_37 = arith.constant 0 : i32
    %dma_start3A_38 = arith.constant 0 : i32
    %dma_start3A_39 = tpu.memref_slice %arg2[%dma_start3A_37, %dma_start3A_38] : memref<100000x128xf32, #tpu.memory_space<hbm>> -> memref<100000x128xf32, #tpu.memory_space<hbm>>
    tpu.enqueue_indirect_dma source(%dma_start3A_39 : memref<100000x128xf32, #tpu.memory_space<hbm>>) target(%arg11 : memref<128x128xf32, #tpu.memory_space<vmem>>) offsets(%dma_start3A_36 : memref<128xi32, #tpu.memory_space<vmem>>) semaphore(%arg15 : memref<!tpu.dma_semaphore, #tpu.memory_space<semaphore_mem>>)
    "tpu.region"() ({
      %run_scoped3A = tpu.sem_alloc : memref<!tpu.dma_semaphore, #tpu.memory_space<semaphore_mem>>
      %dma_start3A_157 = arith.constant 0 : i32
      %dma_start3A_158 = arith.constant 0 : i32
      %dma_start3A_159 = tpu.memref_slice %arg3[%add3A, %dma_start3A_157, %dma_start3A_158] : memref<32x50x128xi32, #tpu.memory_space<hbm>> -> memref<1x50x128xi32, #tpu.memory_space<hbm>>
      %dma_start3A_160 = tpu.memref_squeeze %dma_start3A_159 : memref<1x50x128xi32, #tpu.memory_space<hbm>> -> memref<50x128xi32, #tpu.memory_space<hbm>>
      %dma_start3A_161 = arith.constant 0 : i32
      %dma_start3A_162 = arith.constant 0 : i32
      %dma_start3A_163 = tpu.memref_slice %arg3[%add3A, %dma_start3A_161, %dma_start3A_162] : memref<32x50x128xi32, #tpu.memory_space<hbm>> -> memref<1x50x128xi32, #tpu.memory_space<hbm>>
      %dma_start3A_164 = tpu.memref_squeeze %dma_start3A_163 : memref<1x50x128xi32, #tpu.memory_space<hbm>> -> memref<50x128xi32, #tpu.memory_space<hbm>>
      tpu.enqueue_dma source(%dma_start3A_164 : memref<50x128xi32, #tpu.memory_space<hbm>>) target(%arg6 : memref<50x128xi32, #tpu.memory_space<vmem>>) target_semaphore(%run_scoped3A : memref<!tpu.dma_semaphore, #tpu.memory_space<semaphore_mem>>)
      %dma_wait3A_165 = arith.constant 0 : i32
      %dma_wait3A_166 = arith.constant 0 : i32
      %dma_wait3A_167 = tpu.memref_slice %arg3[%add3A, %dma_wait3A_165, %dma_wait3A_166] : memref<32x50x128xi32, #tpu.memory_space<hbm>> -> memref<1x50x128xi32, #tpu.memory_space<hbm>>
      %dma_wait3A_168 = tpu.memref_squeeze %dma_wait3A_167 : memref<1x50x128xi32, #tpu.memory_space<hbm>> -> memref<50x128xi32, #tpu.memory_space<hbm>>
      %dma_wait3A_169 = arith.constant 0 : i32
      %dma_wait3A_170 = arith.constant 0 : i32
      %dma_wait3A_171 = tpu.memref_slice %arg3[%add3A, %dma_wait3A_169, %dma_wait3A_170] : memref<32x50x128xi32, #tpu.memory_space<hbm>> -> memref<1x50x128xi32, #tpu.memory_space<hbm>>
      %dma_wait3A_172 = tpu.memref_squeeze %dma_wait3A_171 : memref<1x50x128xi32, #tpu.memory_space<hbm>> -> memref<50x128xi32, #tpu.memory_space<hbm>>
      tpu.wait_dma2 semaphore(%run_scoped3A : memref<!tpu.dma_semaphore, #tpu.memory_space<semaphore_mem>>) src(%dma_wait3A_172 : memref<50x128xi32, #tpu.memory_space<hbm>>) dst(%arg6 : memref<50x128xi32, #tpu.memory_space<vmem>>)
      tpu.yield
    }) : () -> ()
    %dma_wait3A = arith.constant 0 : i32
    %dma_wait3A_40 = arith.constant 0 : i32
    %dma_wait3A_41 = tpu.memref_slice %arg4[%rem3A_18, %dma_wait3A, %dma_wait3A_40] : memref<4x50x128xf32, #tpu.memory_space<hbm>> -> memref<1x50x128xf32, #tpu.memory_space<hbm>>
    %dma_wait3A_42 = tpu.memref_squeeze %dma_wait3A_41 : memref<1x50x128xf32, #tpu.memory_space<hbm>> -> memref<50x128xf32, #tpu.memory_space<hbm>>
    %dma_wait3A_43 = arith.constant 0 : i32
    %dma_wait3A_44 = arith.constant 0 : i32
    %dma_wait3A_45 = tpu.memref_slice %arg4[%rem3A_18, %dma_wait3A_43, %dma_wait3A_44] : memref<4x50x128xf32, #tpu.memory_space<hbm>> -> memref<1x50x128xf32, #tpu.memory_space<hbm>>
    %dma_wait3A_46 = tpu.memref_squeeze %dma_wait3A_45 : memref<1x50x128xf32, #tpu.memory_space<hbm>> -> memref<50x128xf32, #tpu.memory_space<hbm>>
    tpu.wait_dma2 semaphore(%arg17 : memref<!tpu.dma_semaphore, #tpu.memory_space<semaphore_mem>>) src(%dma_wait3A_46 : memref<50x128xf32, #tpu.memory_space<hbm>>) dst(%arg7 : memref<50x128xf32, #tpu.memory_space<vmem>>)
    %iota3A = tpu.iota {dimensions = array<i32: 0>} : vector<16xi32>
    %add3A_47 = arith.constant 0 : i32
    %add3A_48 = vector.broadcast %add3A_47 : i32 to vector<16xi32>
    %add3A_49 = arith.addi %iota3A, %add3A_48 : vector<16xi32>
    %mul3A_50 = arith.constant 200 : i32
    %mul3A_51 = vector.broadcast %mul3A_50 : i32 to vector<16xi32>
    %mul3A_52 = arith.muli %add3A_49, %mul3A_51 : vector<16xi32>
    %swap3A = arith.constant 0 : index
    %swap3A_53 = tpu.vector_load %arg8[%swap3A] {strides = array<i32>} : memref<128xi32, #tpu.memory_space<vmem>>, vector<16xi32>,
    %swap3A_54 = vector.shape_cast %swap3A_53 : vector<16xi32> to vector<16xi32>
    %swap3A_55 = vector.shape_cast %mul3A_52 : vector<16xi32> to vector<16xi32>
    tpu.vector_store %arg8[%swap3A], %swap3A_55 {strides = array<i32>} : memref<128xi32, #tpu.memory_space<vmem>>, vector<16xi32>,
    %iota3A_56 = tpu.iota {dimensions = array<i32: 0>} : vector<16xi32>
    %add3A_57 = arith.constant 16 : i32
    %add3A_58 = vector.broadcast %add3A_57 : i32 to vector<16xi32>
    %add3A_59 = arith.addi %iota3A_56, %add3A_58 : vector<16xi32>
    %mul3A_60 = arith.constant 200 : i32
    %mul3A_61 = vector.broadcast %mul3A_60 : i32 to vector<16xi32>
    %mul3A_62 = arith.muli %add3A_59, %mul3A_61 : vector<16xi32>
    %swap3A_63 = arith.constant 16 : index
    %swap3A_64 = tpu.vector_load %arg8[%swap3A_63] {strides = array<i32>} : memref<128xi32, #tpu.memory_space<vmem>>, vector<16xi32>,
    %swap3A_65 = vector.shape_cast %swap3A_64 : vector<16xi32> to vector<16xi32>
    %swap3A_66 = vector.shape_cast %mul3A_62 : vector<16xi32> to vector<16xi32>
    tpu.vector_store %arg8[%swap3A_63], %swap3A_66 {strides = array<i32>} : memref<128xi32, #tpu.memory_space<vmem>>, vector<16xi32>,
    %iota3A_67 = tpu.iota {dimensions = array<i32: 0>} : vector<16xi32>
    %add3A_68 = arith.constant 32 : i32
    %add3A_69 = vector.broadcast %add3A_68 : i32 to vector<16xi32>
    %add3A_70 = arith.addi %iota3A_67, %add3A_69 : vector<16xi32>
    %mul3A_71 = arith.constant 200 : i32
    %mul3A_72 = vector.broadcast %mul3A_71 : i32 to vector<16xi32>
    %mul3A_73 = arith.muli %add3A_70, %mul3A_72 : vector<16xi32>
    %swap3A_74 = arith.constant 32 : index
    %swap3A_75 = tpu.vector_load %arg8[%swap3A_74] {strides = array<i32>} : memref<128xi32, #tpu.memory_space<vmem>>, vector<16xi32>,
    %swap3A_76 = vector.shape_cast %swap3A_75 : vector<16xi32> to vector<16xi32>
    %swap3A_77 = vector.shape_cast %mul3A_73 : vector<16xi32> to vector<16xi32>
    tpu.vector_store %arg8[%swap3A_74], %swap3A_77 {strides = array<i32>} : memref<128xi32, #tpu.memory_space<vmem>>, vector<16xi32>,
    %iota3A_78 = tpu.iota {dimensions = array<i32: 0>} : vector<16xi32>
    %add3A_79 = arith.constant 48 : i32
    %add3A_80 = vector.broadcast %add3A_79 : i32 to vector<16xi32>
    %add3A_81 = arith.addi %iota3A_78, %add3A_80 : vector<16xi32>
    %mul3A_82 = arith.constant 200 : i32
    %mul3A_83 = vector.broadcast %mul3A_82 : i32 to vector<16xi32>
    %mul3A_84 = arith.muli %add3A_81, %mul3A_83 : vector<16xi32>
    %swap3A_85 = arith.constant 48 : index
    %swap3A_86 = tpu.vector_load %arg8[%swap3A_85] {strides = array<i32>} : memref<128xi32, #tpu.memory_space<vmem>>, vector<16xi32>,
    %swap3A_87 = vector.shape_cast %swap3A_86 : vector<16xi32> to vector<16xi32>
    %swap3A_88 = vector.shape_cast %mul3A_84 : vector<16xi32> to vector<16xi32>
    tpu.vector_store %arg8[%swap3A_85], %swap3A_88 {strides = array<i32>} : memref<128xi32, #tpu.memory_space<vmem>>, vector<16xi32>,
    %iota3A_89 = tpu.iota {dimensions = array<i32: 0>} : vector<16xi32>
    %add3A_90 = arith.constant 64 : i32
    %add3A_91 = vector.broadcast %add3A_90 : i32 to vector<16xi32>
    %add3A_92 = arith.addi %iota3A_89, %add3A_91 : vector<16xi32>
    %mul3A_93 = arith.constant 200 : i32
    %mul3A_94 = vector.broadcast %mul3A_93 : i32 to vector<16xi32>
    %mul3A_95 = arith.muli %add3A_92, %mul3A_94 : vector<16xi32>
    %swap3A_96 = arith.constant 64 : index
    %swap3A_97 = tpu.vector_load %arg8[%swap3A_96] {strides = array<i32>} : memref<128xi32, #tpu.memory_space<vmem>>, vector<16xi32>,
    %swap3A_98 = vector.shape_cast %swap3A_97 : vector<16xi32> to vector<16xi32>
    %swap3A_99 = vector.shape_cast %mul3A_95 : vector<16xi32> to vector<16xi32>
    tpu.vector_store %arg8[%swap3A_96], %swap3A_99 {strides = array<i32>} : memref<128xi32, #tpu.memory_space<vmem>>, vector<16xi32>,
    %iota3A_100 = tpu.iota {dimensions = array<i32: 0>} : vector<16xi32>
    %add3A_101 = arith.constant 80 : i32
    %add3A_102 = vector.broadcast %add3A_101 : i32 to vector<16xi32>
    %add3A_103 = arith.addi %iota3A_100, %add3A_102 : vector<16xi32>
    %mul3A_104 = arith.constant 200 : i32
    %mul3A_105 = vector.broadcast %mul3A_104 : i32 to vector<16xi32>
    %mul3A_106 = arith.muli %add3A_103, %mul3A_105 : vector<16xi32>
    %swap3A_107 = arith.constant 80 : index
    %swap3A_108 = tpu.vector_load %arg8[%swap3A_107] {strides = array<i32>} : memref<128xi32, #tpu.memory_space<vmem>>, vector<16xi32>,
    %swap3A_109 = vector.shape_cast %swap3A_108 : vector<16xi32> to vector<16xi32>
    %swap3A_110 = vector.shape_cast %mul3A_106 : vector<16xi32> to vector<16xi32>
    tpu.vector_store %arg8[%swap3A_107], %swap3A_110 {strides = array<i32>} : memref<128xi32, #tpu.memory_space<vmem>>, vector<16xi32>,
    %iota3A_111 = tpu.iota {dimensions = array<i32: 0>} : vector<16xi32>
    %add3A_112 = arith.constant 96 : i32
    %add3A_113 = vector.broadcast %add3A_112 : i32 to vector<16xi32>
    %add3A_114 = arith.addi %iota3A_111, %add3A_113 : vector<16xi32>
    %mul3A_115 = arith.constant 200 : i32
    %mul3A_116 = vector.broadcast %mul3A_115 : i32 to vector<16xi32>
    %mul3A_117 = arith.muli %add3A_114, %mul3A_116 : vector<16xi32>
    %swap3A_118 = arith.constant 96 : index
    %swap3A_119 = tpu.vector_load %arg8[%swap3A_118] {strides = array<i32>} : memref<128xi32, #tpu.memory_space<vmem>>, vector<16xi32>,
    %swap3A_120 = vector.shape_cast %swap3A_119 : vector<16xi32> to vector<16xi32>
    %swap3A_121 = vector.shape_cast %mul3A_117 : vector<16xi32> to vector<16xi32>
    tpu.vector_store %arg8[%swap3A_118], %swap3A_121 {strides = array<i32>} : memref<128xi32, #tpu.memory_space<vmem>>, vector<16xi32>,
    %iota3A_122 = tpu.iota {dimensions = array<i32: 0>} : vector<16xi32>
    %add3A_123 = arith.constant 112 : i32
    %add3A_124 = vector.broadcast %add3A_123 : i32 to vector<16xi32>
    %add3A_125 = arith.addi %iota3A_122, %add3A_124 : vector<16xi32>
    %mul3A_126 = arith.constant 200 : i32
    %mul3A_127 = vector.broadcast %mul3A_126 : i32 to vector<16xi32>
    %mul3A_128 = arith.muli %add3A_125, %mul3A_127 : vector<16xi32>
    %swap3A_129 = arith.constant 112 : index
    %swap3A_130 = tpu.vector_load %arg8[%swap3A_129] {strides = array<i32>} : memref<128xi32, #tpu.memory_space<vmem>>, vector<16xi32>,
    %swap3A_131 = vector.shape_cast %swap3A_130 : vector<16xi32> to vector<16xi32>
    %swap3A_132 = vector.shape_cast %mul3A_128 : vector<16xi32> to vector<16xi32>
    tpu.vector_store %arg8[%swap3A_129], %swap3A_132 {strides = array<i32>} : memref<128xi32, #tpu.memory_space<vmem>>, vector<16xi32>,
    %mul3A_133 = arith.constant 25600 : i32
    %mul3A_134 = arith.muli %select_n3A, %mul3A_133 : i32
    %mul3A_135 = arith.constant 50 : i32
    %mul3A_136 = arith.muli %rem3A_18, %mul3A_135 : i32
    %add3A_137 = arith.addi %mul3A_134, %mul3A_136 : i32
    %scan3A = arith.constant 0 : i32
    %scan3A_138 = arith.constant 0 : i32
    %scan3A_139 = arith.constant 25 : i32
    %scan3A_140 = arith.addi %scan3A_138, %scan3A_139 : i32
    %scan3A_141 = arith.constant 1 : i32
    scf.for %scan3A_157 = %scan3A_138 to %scan3A_140 step %scan3A_141  : i32 {
      %mul3A_158 = arith.constant 2 : i32
      %mul3A_159 = arith.muli %scan3A_157, %mul3A_158 : i32
      %add3A_160 = arith.constant 0 : i32
      %add3A_161 = arith.addi %mul3A_159, %add3A_160 : i32
      %dma_wait3A_162 = arith.constant 0 : i32
      %dma_wait3A_163 = tpu.memref_slice %arg6[%add3A_161, %dma_wait3A_162] : memref<50x128xi32, #tpu.memory_space<vmem>> -> memref<1x128xi32, #tpu.memory_space<vmem>>
      %dma_wait3A_164 = tpu.memref_squeeze %dma_wait3A_163 : memref<1x128xi32, #tpu.memory_space<vmem>> -> memref<128xi32, #tpu.memory_space<vmem>>
      %dma_wait3A_165 = arith.constant 0 : i32
      %dma_wait3A_166 = arith.constant 0 : i32
      %dma_wait3A_167 = tpu.memref_slice %arg2[%dma_wait3A_165, %dma_wait3A_166] : memref<100000x128xf32, #tpu.memory_space<hbm>> -> memref<100000x128xf32, #tpu.memory_space<hbm>>
      tpu.wait_indirect_dma semaphore(%arg14 : memref<!tpu.dma_semaphore, #tpu.memory_space<semaphore_mem>>) src(%dma_wait3A_167 : memref<100000x128xf32, #tpu.memory_space<hbm>>) dst(%arg10 : memref<128x128xf32, #tpu.memory_space<vmem>>)
      %get3A = arith.index_cast %add3A_161 : i32 to index
      %get3A_168 = arith.constant 0 : index
      %get3A_169 = tpu.vector_load %arg7[%get3A, %get3A_168] {strides = array<i32>} : memref<50x128xf32, #tpu.memory_space<vmem>>, vector<1x16xf32>,
      %get3A_170 = vector.shape_cast %get3A_169 : vector<1x16xf32> to vector<16xf32>
      %get3A_171 = arith.index_cast %add3A_161 : i32 to index
      %get3A_172 = arith.constant 16 : index
      %get3A_173 = tpu.vector_load %arg7[%get3A_171, %get3A_172] {strides = array<i32>} : memref<50x128xf32, #tpu.memory_space<vmem>>, vector<1x16xf32>,
      %get3A_174 = vector.shape_cast %get3A_173 : vector<1x16xf32> to vector<16xf32>
      %get3A_175 = arith.index_cast %add3A_161 : i32 to index
      %get3A_176 = arith.constant 32 : index
      %get3A_177 = tpu.vector_load %arg7[%get3A_175, %get3A_176] {strides = array<i32>} : memref<50x128xf32, #tpu.memory_space<vmem>>, vector<1x16xf32>,
      %get3A_178 = vector.shape_cast %get3A_177 : vector<1x16xf32> to vector<16xf32>
      %get3A_179 = arith.index_cast %add3A_161 : i32 to index
      %get3A_180 = arith.constant 48 : index
      %get3A_181 = tpu.vector_load %arg7[%get3A_179, %get3A_180] {strides = array<i32>} : memref<50x128xf32, #tpu.memory_space<vmem>>, vector<1x16xf32>,
      %get3A_182 = vector.shape_cast %get3A_181 : vector<1x16xf32> to vector<16xf32>
      %get3A_183 = arith.index_cast %add3A_161 : i32 to index
      %get3A_184 = arith.constant 64 : index
      %get3A_185 = tpu.vector_load %arg7[%get3A_183, %get3A_184] {strides = array<i32>} : memref<50x128xf32, #tpu.memory_space<vmem>>, vector<1x16xf32>,
      %get3A_186 = vector.shape_cast %get3A_185 : vector<1x16xf32> to vector<16xf32>
      %get3A_187 = arith.index_cast %add3A_161 : i32 to index
      %get3A_188 = arith.constant 80 : index
      %get3A_189 = tpu.vector_load %arg7[%get3A_187, %get3A_188] {strides = array<i32>} : memref<50x128xf32, #tpu.memory_space<vmem>>, vector<1x16xf32>,
      %get3A_190 = vector.shape_cast %get3A_189 : vector<1x16xf32> to vector<16xf32>
      %get3A_191 = arith.index_cast %add3A_161 : i32 to index
      %get3A_192 = arith.constant 96 : index
      %get3A_193 = tpu.vector_load %arg7[%get3A_191, %get3A_192] {strides = array<i32>} : memref<50x128xf32, #tpu.memory_space<vmem>>, vector<1x16xf32>,
      %get3A_194 = vector.shape_cast %get3A_193 : vector<1x16xf32> to vector<16xf32>
      %get3A_195 = arith.index_cast %add3A_161 : i32 to index
      %get3A_196 = arith.constant 112 : index
      %get3A_197 = tpu.vector_load %arg7[%get3A_195, %get3A_196] {strides = array<i32>} : memref<50x128xf32, #tpu.memory_space<vmem>>, vector<1x16xf32>,
      %get3A_198 = vector.shape_cast %get3A_197 : vector<1x16xf32> to vector<16xf32>
      %gt3A = arith.constant 0 : i32
      %gt3A_199 = arith.cmpi sgt, %scan3A_157, %gt3A : i32
      %convert_element_type3A = arith.extui %gt3A_199 : i1 to i32
      %cond3A = arith.constant 0 : i32
      %cond3A_200 = arith.cmpi ne, %convert_element_type3A, %cond3A : i32
      scf.if %cond3A_200 {
        %dma_wait3A_454 = arith.constant 0 : i32
        %dma_wait3A_455 = arith.constant 0 : i32
        %dma_wait3A_456 = tpu.memref_slice %arg9[%dma_wait3A_454, %dma_wait3A_455] : memref<2x128xi32, #tpu.memory_space<vmem>> -> memref<1x128xi32, #tpu.memory_space<vmem>>
        %dma_wait3A_457 = tpu.memref_squeeze %dma_wait3A_456 : memref<1x128xi32, #tpu.memory_space<vmem>> -> memref<128xi32, #tpu.memory_space<vmem>>
        %dma_wait3A_458 = arith.constant 0 : i32
        %dma_wait3A_459 = arith.constant 0 : i32
        %dma_wait3A_460 = tpu.memref_slice %arg5[%dma_wait3A_458, %dma_wait3A_459] : memref<204800x128xf32, #tpu.memory_space<hbm>> -> memref<204800x128xf32, #tpu.memory_space<hbm>>
        tpu.wait_indirect_dma semaphore(%arg16 : memref<!tpu.dma_semaphore, #tpu.memory_space<semaphore_mem>>) src(%arg12 : memref<128x128xf32, #tpu.memory_space<vmem>>) dst(%dma_wait3A_460 : memref<204800x128xf32, #tpu.memory_space<hbm>>)
      } else {
      }
      %parallel_loop3A = arith.constant 0 : i32
      %parallel_loop3A_201 = arith.constant 128 : i32
      %parallel_loop3A_202 = arith.constant 1 : i32
      scf.for %parallel_loop3A_454 = %parallel_loop3A to %parallel_loop3A_201 step %parallel_loop3A_202  : i32 {
        %parallel_loop3A_455 = arith.index_cast %parallel_loop3A_454 : i32 to index
        %parallel_loop3A_456 = arith.constant 0 : index
        %parallel_loop3A_457 = tpu.vector_load %arg10[%parallel_loop3A_455, %parallel_loop3A_456] {strides = array<i32>} : memref<128x128xf32, #tpu.memory_space<vmem>>, vector<1x16xf32>,
        %parallel_loop3A_458 = vector.shape_cast %parallel_loop3A_457 : vector<1x16xf32> to vector<16xf32>
        %parallel_loop3A_459 = arith.addf %parallel_loop3A_458, %get3A_170 : vector<16xf32>
        %parallel_loop3A_460 = arith.index_cast %parallel_loop3A_454 : i32 to index
        %parallel_loop3A_461 = arith.constant 16 : index
        %parallel_loop3A_462 = tpu.vector_load %arg10[%parallel_loop3A_460, %parallel_loop3A_461] {strides = array<i32>} : memref<128x128xf32, #tpu.memory_space<vmem>>, vector<1x16xf32>,
        %parallel_loop3A_463 = vector.shape_cast %parallel_loop3A_462 : vector<1x16xf32> to vector<16xf32>
        %parallel_loop3A_464 = arith.addf %parallel_loop3A_463, %get3A_174 : vector<16xf32>
        %parallel_loop3A_465 = arith.index_cast %parallel_loop3A_454 : i32 to index
        %parallel_loop3A_466 = arith.constant 32 : index
        %parallel_loop3A_467 = tpu.vector_load %arg10[%parallel_loop3A_465, %parallel_loop3A_466] {strides = array<i32>} : memref<128x128xf32, #tpu.memory_space<vmem>>, vector<1x16xf32>,
        %parallel_loop3A_468 = vector.shape_cast %parallel_loop3A_467 : vector<1x16xf32> to vector<16xf32>
        %parallel_loop3A_469 = arith.addf %parallel_loop3A_468, %get3A_178 : vector<16xf32>
        %parallel_loop3A_470 = arith.index_cast %parallel_loop3A_454 : i32 to index
        %parallel_loop3A_471 = arith.constant 48 : index
        %parallel_loop3A_472 = tpu.vector_load %arg10[%parallel_loop3A_470, %parallel_loop3A_471] {strides = array<i32>} : memref<128x128xf32, #tpu.memory_space<vmem>>, vector<1x16xf32>,
        %parallel_loop3A_473 = vector.shape_cast %parallel_loop3A_472 : vector<1x16xf32> to vector<16xf32>
        %parallel_loop3A_474 = arith.addf %parallel_loop3A_473, %get3A_182 : vector<16xf32>
        %parallel_loop3A_475 = arith.index_cast %parallel_loop3A_454 : i32 to index
        %parallel_loop3A_476 = arith.constant 64 : index
        %parallel_loop3A_477 = tpu.vector_load %arg10[%parallel_loop3A_475, %parallel_loop3A_476] {strides = array<i32>} : memref<128x128xf32, #tpu.memory_space<vmem>>, vector<1x16xf32>,
        %parallel_loop3A_478 = vector.shape_cast %parallel_loop3A_477 : vector<1x16xf32> to vector<16xf32>
        %parallel_loop3A_479 = arith.addf %parallel_loop3A_478, %get3A_186 : vector<16xf32>
        %parallel_loop3A_480 = arith.index_cast %parallel_loop3A_454 : i32 to index
        %parallel_loop3A_481 = arith.constant 80 : index
        %parallel_loop3A_482 = tpu.vector_load %arg10[%parallel_loop3A_480, %parallel_loop3A_481] {strides = array<i32>} : memref<128x128xf32, #tpu.memory_space<vmem>>, vector<1x16xf32>,
        %parallel_loop3A_483 = vector.shape_cast %parallel_loop3A_482 : vector<1x16xf32> to vector<16xf32>
        %parallel_loop3A_484 = arith.addf %parallel_loop3A_483, %get3A_190 : vector<16xf32>
        %parallel_loop3A_485 = arith.index_cast %parallel_loop3A_454 : i32 to index
        %parallel_loop3A_486 = arith.constant 96 : index
        %parallel_loop3A_487 = tpu.vector_load %arg10[%parallel_loop3A_485, %parallel_loop3A_486] {strides = array<i32>} : memref<128x128xf32, #tpu.memory_space<vmem>>, vector<1x16xf32>,
        %parallel_loop3A_488 = vector.shape_cast %parallel_loop3A_487 : vector<1x16xf32> to vector<16xf32>
        %parallel_loop3A_489 = arith.addf %parallel_loop3A_488, %get3A_194 : vector<16xf32>
        %parallel_loop3A_490 = arith.index_cast %parallel_loop3A_454 : i32 to index
        %parallel_loop3A_491 = arith.constant 112 : index
        %parallel_loop3A_492 = tpu.vector_load %arg10[%parallel_loop3A_490, %parallel_loop3A_491] {strides = array<i32>} : memref<128x128xf32, #tpu.memory_space<vmem>>, vector<1x16xf32>,
        %parallel_loop3A_493 = vector.shape_cast %parallel_loop3A_492 : vector<1x16xf32> to vector<16xf32>
        %parallel_loop3A_494 = arith.addf %parallel_loop3A_493, %get3A_198 : vector<16xf32>
        %parallel_loop3A_495 = arith.index_cast %parallel_loop3A_454 : i32 to index
        %parallel_loop3A_496 = arith.constant 0 : index
        %parallel_loop3A_497 = tpu.vector_load %arg12[%parallel_loop3A_495, %parallel_loop3A_496] {strides = array<i32>} : memref<128x128xf32, #tpu.memory_space<vmem>>, vector<1x16xf32>,
        %parallel_loop3A_498 = vector.shape_cast %parallel_loop3A_497 : vector<1x16xf32> to vector<16xf32>
        %parallel_loop3A_499 = vector.shape_cast %parallel_loop3A_459 : vector<16xf32> to vector<1x16xf32>
        tpu.vector_store %arg12[%parallel_loop3A_495, %parallel_loop3A_496], %parallel_loop3A_499 {strides = array<i32>} : memref<128x128xf32, #tpu.memory_space<vmem>>, vector<1x16xf32>,
        %parallel_loop3A_500 = arith.index_cast %parallel_loop3A_454 : i32 to index
        %parallel_loop3A_501 = arith.constant 16 : index
        %parallel_loop3A_502 = tpu.vector_load %arg12[%parallel_loop3A_500, %parallel_loop3A_501] {strides = array<i32>} : memref<128x128xf32, #tpu.memory_space<vmem>>, vector<1x16xf32>,
        %parallel_loop3A_503 = vector.shape_cast %parallel_loop3A_502 : vector<1x16xf32> to vector<16xf32>
        %parallel_loop3A_504 = vector.shape_cast %parallel_loop3A_464 : vector<16xf32> to vector<1x16xf32>
        tpu.vector_store %arg12[%parallel_loop3A_500, %parallel_loop3A_501], %parallel_loop3A_504 {strides = array<i32>} : memref<128x128xf32, #tpu.memory_space<vmem>>, vector<1x16xf32>,
        %parallel_loop3A_505 = arith.index_cast %parallel_loop3A_454 : i32 to index
        %parallel_loop3A_506 = arith.constant 32 : index
        %parallel_loop3A_507 = tpu.vector_load %arg12[%parallel_loop3A_505, %parallel_loop3A_506] {strides = array<i32>} : memref<128x128xf32, #tpu.memory_space<vmem>>, vector<1x16xf32>,
        %parallel_loop3A_508 = vector.shape_cast %parallel_loop3A_507 : vector<1x16xf32> to vector<16xf32>
        %parallel_loop3A_509 = vector.shape_cast %parallel_loop3A_469 : vector<16xf32> to vector<1x16xf32>
        tpu.vector_store %arg12[%parallel_loop3A_505, %parallel_loop3A_506], %parallel_loop3A_509 {strides = array<i32>} : memref<128x128xf32, #tpu.memory_space<vmem>>, vector<1x16xf32>,
        %parallel_loop3A_510 = arith.index_cast %parallel_loop3A_454 : i32 to index
        %parallel_loop3A_511 = arith.constant 48 : index
        %parallel_loop3A_512 = tpu.vector_load %arg12[%parallel_loop3A_510, %parallel_loop3A_511] {strides = array<i32>} : memref<128x128xf32, #tpu.memory_space<vmem>>, vector<1x16xf32>,
        %parallel_loop3A_513 = vector.shape_cast %parallel_loop3A_512 : vector<1x16xf32> to vector<16xf32>
        %parallel_loop3A_514 = vector.shape_cast %parallel_loop3A_474 : vector<16xf32> to vector<1x16xf32>
        tpu.vector_store %arg12[%parallel_loop3A_510, %parallel_loop3A_511], %parallel_loop3A_514 {strides = array<i32>} : memref<128x128xf32, #tpu.memory_space<vmem>>, vector<1x16xf32>,
        %parallel_loop3A_515 = arith.index_cast %parallel_loop3A_454 : i32 to index
        %parallel_loop3A_516 = arith.constant 64 : index
        %parallel_loop3A_517 = tpu.vector_load %arg12[%parallel_loop3A_515, %parallel_loop3A_516] {strides = array<i32>} : memref<128x128xf32, #tpu.memory_space<vmem>>, vector<1x16xf32>,
        %parallel_loop3A_518 = vector.shape_cast %parallel_loop3A_517 : vector<1x16xf32> to vector<16xf32>
        %parallel_loop3A_519 = vector.shape_cast %parallel_loop3A_479 : vector<16xf32> to vector<1x16xf32>
        tpu.vector_store %arg12[%parallel_loop3A_515, %parallel_loop3A_516], %parallel_loop3A_519 {strides = array<i32>} : memref<128x128xf32, #tpu.memory_space<vmem>>, vector<1x16xf32>,
        %parallel_loop3A_520 = arith.index_cast %parallel_loop3A_454 : i32 to index
        %parallel_loop3A_521 = arith.constant 80 : index
        %parallel_loop3A_522 = tpu.vector_load %arg12[%parallel_loop3A_520, %parallel_loop3A_521] {strides = array<i32>} : memref<128x128xf32, #tpu.memory_space<vmem>>, vector<1x16xf32>,
        %parallel_loop3A_523 = vector.shape_cast %parallel_loop3A_522 : vector<1x16xf32> to vector<16xf32>
        %parallel_loop3A_524 = vector.shape_cast %parallel_loop3A_484 : vector<16xf32> to vector<1x16xf32>
        tpu.vector_store %arg12[%parallel_loop3A_520, %parallel_loop3A_521], %parallel_loop3A_524 {strides = array<i32>} : memref<128x128xf32, #tpu.memory_space<vmem>>, vector<1x16xf32>,
        %parallel_loop3A_525 = arith.index_cast %parallel_loop3A_454 : i32 to index
        %parallel_loop3A_526 = arith.constant 96 : index
        %parallel_loop3A_527 = tpu.vector_load %arg12[%parallel_loop3A_525, %parallel_loop3A_526] {strides = array<i32>} : memref<128x128xf32, #tpu.memory_space<vmem>>, vector<1x16xf32>,
        %parallel_loop3A_528 = vector.shape_cast %parallel_loop3A_527 : vector<1x16xf32> to vector<16xf32>
        %parallel_loop3A_529 = vector.shape_cast %parallel_loop3A_489 : vector<16xf32> to vector<1x16xf32>
        tpu.vector_store %arg12[%parallel_loop3A_525, %parallel_loop3A_526], %parallel_loop3A_529 {strides = array<i32>} : memref<128x128xf32, #tpu.memory_space<vmem>>, vector<1x16xf32>,
        %parallel_loop3A_530 = arith.index_cast %parallel_loop3A_454 : i32 to index
        %parallel_loop3A_531 = arith.constant 112 : index
        %parallel_loop3A_532 = tpu.vector_load %arg12[%parallel_loop3A_530, %parallel_loop3A_531] {strides = array<i32>} : memref<128x128xf32, #tpu.memory_space<vmem>>, vector<1x16xf32>,
        %parallel_loop3A_533 = vector.shape_cast %parallel_loop3A_532 : vector<1x16xf32> to vector<16xf32>
        %parallel_loop3A_534 = vector.shape_cast %parallel_loop3A_494 : vector<16xf32> to vector<1x16xf32>
        tpu.vector_store %arg12[%parallel_loop3A_530, %parallel_loop3A_531], %parallel_loop3A_534 {strides = array<i32>} : memref<128x128xf32, #tpu.memory_space<vmem>>, vector<1x16xf32>,
      } {sc.loop_unroll_factor = 4 : i64, sc.parallel_access}
      %lt3A = arith.constant 24 : i32
      %lt3A_203 = arith.cmpi slt, %scan3A_157, %lt3A : i32
      %convert_element_type3A_204 = arith.extui %lt3A_203 : i1 to i32
      %cond3A_205 = arith.constant 0 : i32
      %cond3A_206 = arith.cmpi ne, %convert_element_type3A_204, %cond3A_205 : i32
      scf.if %cond3A_206 {
        %add3A_454 = arith.constant 2 : i32
        %add3A_455 = arith.addi %add3A_161, %add3A_454 : i32
        %dma_start3A_456 = arith.constant 0 : i32
        %dma_start3A_457 = tpu.memref_slice %arg6[%add3A_455, %dma_start3A_456] : memref<50x128xi32, #tpu.memory_space<vmem>> -> memref<1x128xi32, #tpu.memory_space<vmem>>
        %dma_start3A_458 = tpu.memref_squeeze %dma_start3A_457 : memref<1x128xi32, #tpu.memory_space<vmem>> -> memref<128xi32, #tpu.memory_space<vmem>>
        %dma_start3A_459 = arith.constant 0 : i32
        %dma_start3A_460 = arith.constant 0 : i32
        %dma_start3A_461 = tpu.memref_slice %arg2[%dma_start3A_459, %dma_start3A_460] : memref<100000x128xf32, #tpu.memory_space<hbm>> -> memref<100000x128xf32, #tpu.memory_space<hbm>>
        tpu.enqueue_indirect_dma source(%dma_start3A_461 : memref<100000x128xf32, #tpu.memory_space<hbm>>) target(%arg10 : memref<128x128xf32, #tpu.memory_space<vmem>>) offsets(%dma_start3A_458 : memref<128xi32, #tpu.memory_space<vmem>>) semaphore(%arg14 : memref<!tpu.dma_semaphore, #tpu.memory_space<semaphore_mem>>)
      } else {
      }
      %add3A_207 = arith.addi %add3A_137, %add3A_161 : i32
      %get3A_208 = arith.constant 0 : index
      %get3A_209 = tpu.vector_load %arg8[%get3A_208] {strides = array<i32>} : memref<128xi32, #tpu.memory_space<vmem>>, vector<16xi32>,
      %get3A_210 = vector.shape_cast %get3A_209 : vector<16xi32> to vector<16xi32>
      %add3A_211 = vector.broadcast %add3A_207 : i32 to vector<16xi32>
      %add3A_212 = arith.addi %get3A_210, %add3A_211 : vector<16xi32>
      %swap3A_213 = arith.constant 0 : i32
      %swap3A_214 = arith.index_cast %swap3A_213 : i32 to index
      %swap3A_215 = arith.constant 0 : index
      %swap3A_216 = tpu.vector_load %arg9[%swap3A_214, %swap3A_215] {strides = array<i32>} : memref<2x128xi32, #tpu.memory_space<vmem>>, vector<1x16xi32>,
      %swap3A_217 = vector.shape_cast %swap3A_216 : vector<1x16xi32> to vector<16xi32>
      %swap3A_218 = vector.shape_cast %add3A_212 : vector<16xi32> to vector<1x16xi32>
      tpu.vector_store %arg9[%swap3A_214, %swap3A_215], %swap3A_218 {strides = array<i32>} : memref<2x128xi32, #tpu.memory_space<vmem>>, vector<1x16xi32>,
      %get3A_219 = arith.constant 16 : index
      %get3A_220 = tpu.vector_load %arg8[%get3A_219] {strides = array<i32>} : memref<128xi32, #tpu.memory_space<vmem>>, vector<16xi32>,
      %get3A_221 = vector.shape_cast %get3A_220 : vector<16xi32> to vector<16xi32>
      %add3A_222 = vector.broadcast %add3A_207 : i32 to vector<16xi32>
      %add3A_223 = arith.addi %get3A_221, %add3A_222 : vector<16xi32>
      %swap3A_224 = arith.constant 0 : i32
      %swap3A_225 = arith.index_cast %swap3A_224 : i32 to index
      %swap3A_226 = arith.constant 16 : index
      %swap3A_227 = tpu.vector_load %arg9[%swap3A_225, %swap3A_226] {strides = array<i32>} : memref<2x128xi32, #tpu.memory_space<vmem>>, vector<1x16xi32>,
      %swap3A_228 = vector.shape_cast %swap3A_227 : vector<1x16xi32> to vector<16xi32>
      %swap3A_229 = vector.shape_cast %add3A_223 : vector<16xi32> to vector<1x16xi32>
      tpu.vector_store %arg9[%swap3A_225, %swap3A_226], %swap3A_229 {strides = array<i32>} : memref<2x128xi32, #tpu.memory_space<vmem>>, vector<1x16xi32>,
      %get3A_230 = arith.constant 32 : index
      %get3A_231 = tpu.vector_load %arg8[%get3A_230] {strides = array<i32>} : memref<128xi32, #tpu.memory_space<vmem>>, vector<16xi32>,
      %get3A_232 = vector.shape_cast %get3A_231 : vector<16xi32> to vector<16xi32>
      %add3A_233 = vector.broadcast %add3A_207 : i32 to vector<16xi32>
      %add3A_234 = arith.addi %get3A_232, %add3A_233 : vector<16xi32>
      %swap3A_235 = arith.constant 0 : i32
      %swap3A_236 = arith.index_cast %swap3A_235 : i32 to index
      %swap3A_237 = arith.constant 32 : index
      %swap3A_238 = tpu.vector_load %arg9[%swap3A_236, %swap3A_237] {strides = array<i32>} : memref<2x128xi32, #tpu.memory_space<vmem>>, vector<1x16xi32>,
      %swap3A_239 = vector.shape_cast %swap3A_238 : vector<1x16xi32> to vector<16xi32>
      %swap3A_240 = vector.shape_cast %add3A_234 : vector<16xi32> to vector<1x16xi32>
      tpu.vector_store %arg9[%swap3A_236, %swap3A_237], %swap3A_240 {strides = array<i32>} : memref<2x128xi32, #tpu.memory_space<vmem>>, vector<1x16xi32>,
      %get3A_241 = arith.constant 48 : index
      %get3A_242 = tpu.vector_load %arg8[%get3A_241] {strides = array<i32>} : memref<128xi32, #tpu.memory_space<vmem>>, vector<16xi32>,
      %get3A_243 = vector.shape_cast %get3A_242 : vector<16xi32> to vector<16xi32>
      %add3A_244 = vector.broadcast %add3A_207 : i32 to vector<16xi32>
      %add3A_245 = arith.addi %get3A_243, %add3A_244 : vector<16xi32>
      %swap3A_246 = arith.constant 0 : i32
      %swap3A_247 = arith.index_cast %swap3A_246 : i32 to index
      %swap3A_248 = arith.constant 48 : index
      %swap3A_249 = tpu.vector_load %arg9[%swap3A_247, %swap3A_248] {strides = array<i32>} : memref<2x128xi32, #tpu.memory_space<vmem>>, vector<1x16xi32>,
      %swap3A_250 = vector.shape_cast %swap3A_249 : vector<1x16xi32> to vector<16xi32>
      %swap3A_251 = vector.shape_cast %add3A_245 : vector<16xi32> to vector<1x16xi32>
      tpu.vector_store %arg9[%swap3A_247, %swap3A_248], %swap3A_251 {strides = array<i32>} : memref<2x128xi32, #tpu.memory_space<vmem>>, vector<1x16xi32>,
      %get3A_252 = arith.constant 64 : index
      %get3A_253 = tpu.vector_load %arg8[%get3A_252] {strides = array<i32>} : memref<128xi32, #tpu.memory_space<vmem>>, vector<16xi32>,
      %get3A_254 = vector.shape_cast %get3A_253 : vector<16xi32> to vector<16xi32>
      %add3A_255 = vector.broadcast %add3A_207 : i32 to vector<16xi32>
      %add3A_256 = arith.addi %get3A_254, %add3A_255 : vector<16xi32>
      %swap3A_257 = arith.constant 0 : i32
      %swap3A_258 = arith.index_cast %swap3A_257 : i32 to index
      %swap3A_259 = arith.constant 64 : index
      %swap3A_260 = tpu.vector_load %arg9[%swap3A_258, %swap3A_259] {strides = array<i32>} : memref<2x128xi32, #tpu.memory_space<vmem>>, vector<1x16xi32>,
      %swap3A_261 = vector.shape_cast %swap3A_260 : vector<1x16xi32> to vector<16xi32>
      %swap3A_262 = vector.shape_cast %add3A_256 : vector<16xi32> to vector<1x16xi32>
      tpu.vector_store %arg9[%swap3A_258, %swap3A_259], %swap3A_262 {strides = array<i32>} : memref<2x128xi32, #tpu.memory_space<vmem>>, vector<1x16xi32>,
      %get3A_263 = arith.constant 80 : index
      %get3A_264 = tpu.vector_load %arg8[%get3A_263] {strides = array<i32>} : memref<128xi32, #tpu.memory_space<vmem>>, vector<16xi32>,
      %get3A_265 = vector.shape_cast %get3A_264 : vector<16xi32> to vector<16xi32>
      %add3A_266 = vector.broadcast %add3A_207 : i32 to vector<16xi32>
      %add3A_267 = arith.addi %get3A_265, %add3A_266 : vector<16xi32>
      %swap3A_268 = arith.constant 0 : i32
      %swap3A_269 = arith.index_cast %swap3A_268 : i32 to index
      %swap3A_270 = arith.constant 80 : index
      %swap3A_271 = tpu.vector_load %arg9[%swap3A_269, %swap3A_270] {strides = array<i32>} : memref<2x128xi32, #tpu.memory_space<vmem>>, vector<1x16xi32>,
      %swap3A_272 = vector.shape_cast %swap3A_271 : vector<1x16xi32> to vector<16xi32>
      %swap3A_273 = vector.shape_cast %add3A_267 : vector<16xi32> to vector<1x16xi32>
      tpu.vector_store %arg9[%swap3A_269, %swap3A_270], %swap3A_273 {strides = array<i32>} : memref<2x128xi32, #tpu.memory_space<vmem>>, vector<1x16xi32>,
      %get3A_274 = arith.constant 96 : index
      %get3A_275 = tpu.vector_load %arg8[%get3A_274] {strides = array<i32>} : memref<128xi32, #tpu.memory_space<vmem>>, vector<16xi32>,
      %get3A_276 = vector.shape_cast %get3A_275 : vector<16xi32> to vector<16xi32>
      %add3A_277 = vector.broadcast %add3A_207 : i32 to vector<16xi32>
      %add3A_278 = arith.addi %get3A_276, %add3A_277 : vector<16xi32>
      %swap3A_279 = arith.constant 0 : i32
      %swap3A_280 = arith.index_cast %swap3A_279 : i32 to index
      %swap3A_281 = arith.constant 96 : index
      %swap3A_282 = tpu.vector_load %arg9[%swap3A_280, %swap3A_281] {strides = array<i32>} : memref<2x128xi32, #tpu.memory_space<vmem>>, vector<1x16xi32>,
      %swap3A_283 = vector.shape_cast %swap3A_282 : vector<1x16xi32> to vector<16xi32>
      %swap3A_284 = vector.shape_cast %add3A_278 : vector<16xi32> to vector<1x16xi32>
      tpu.vector_store %arg9[%swap3A_280, %swap3A_281], %swap3A_284 {strides = array<i32>} : memref<2x128xi32, #tpu.memory_space<vmem>>, vector<1x16xi32>,
      %get3A_285 = arith.constant 112 : index
      %get3A_286 = tpu.vector_load %arg8[%get3A_285] {strides = array<i32>} : memref<128xi32, #tpu.memory_space<vmem>>, vector<16xi32>,
      %get3A_287 = vector.shape_cast %get3A_286 : vector<16xi32> to vector<16xi32>
      %add3A_288 = vector.broadcast %add3A_207 : i32 to vector<16xi32>
      %add3A_289 = arith.addi %get3A_287, %add3A_288 : vector<16xi32>
      %swap3A_290 = arith.constant 0 : i32
      %swap3A_291 = arith.index_cast %swap3A_290 : i32 to index
      %swap3A_292 = arith.constant 112 : index
      %swap3A_293 = tpu.vector_load %arg9[%swap3A_291, %swap3A_292] {strides = array<i32>} : memref<2x128xi32, #tpu.memory_space<vmem>>, vector<1x16xi32>,
      %swap3A_294 = vector.shape_cast %swap3A_293 : vector<1x16xi32> to vector<16xi32>
      %swap3A_295 = vector.shape_cast %add3A_289 : vector<16xi32> to vector<1x16xi32>
      tpu.vector_store %arg9[%swap3A_291, %swap3A_292], %swap3A_295 {strides = array<i32>} : memref<2x128xi32, #tpu.memory_space<vmem>>, vector<1x16xi32>,
      %dma_start3A_296 = arith.constant 0 : i32
      %dma_start3A_297 = arith.constant 0 : i32
      %dma_start3A_298 = tpu.memref_slice %arg9[%dma_start3A_296, %dma_start3A_297] : memref<2x128xi32, #tpu.memory_space<vmem>> -> memref<1x128xi32, #tpu.memory_space<vmem>>
      %dma_start3A_299 = tpu.memref_squeeze %dma_start3A_298 : memref<1x128xi32, #tpu.memory_space<vmem>> -> memref<128xi32, #tpu.memory_space<vmem>>
      %dma_start3A_300 = arith.constant 0 : i32
      %dma_start3A_301 = arith.constant 0 : i32
      %dma_start3A_302 = tpu.memref_slice %arg5[%dma_start3A_300, %dma_start3A_301] : memref<204800x128xf32, #tpu.memory_space<hbm>> -> memref<204800x128xf32, #tpu.memory_space<hbm>>
      tpu.enqueue_indirect_dma source(%arg12 : memref<128x128xf32, #tpu.memory_space<vmem>>) target(%dma_start3A_302 : memref<204800x128xf32, #tpu.memory_space<hbm>>) offsets(%dma_start3A_299 : memref<128xi32, #tpu.memory_space<vmem>>) semaphore(%arg16 : memref<!tpu.dma_semaphore, #tpu.memory_space<semaphore_mem>>)
      %mul3A_303 = arith.constant 2 : i32
      %mul3A_304 = arith.muli %scan3A_157, %mul3A_303 : i32
      %add3A_305 = arith.constant 1 : i32
      %add3A_306 = arith.addi %mul3A_304, %add3A_305 : i32
      %dma_wait3A_307 = arith.constant 0 : i32
      %dma_wait3A_308 = tpu.memref_slice %arg6[%add3A_306, %dma_wait3A_307] : memref<50x128xi32, #tpu.memory_space<vmem>> -> memref<1x128xi32, #tpu.memory_space<vmem>>
      %dma_wait3A_309 = tpu.memref_squeeze %dma_wait3A_308 : memref<1x128xi32, #tpu.memory_space<vmem>> -> memref<128xi32, #tpu.memory_space<vmem>>
      %dma_wait3A_310 = arith.constant 0 : i32
      %dma_wait3A_311 = arith.constant 0 : i32
      %dma_wait3A_312 = tpu.memref_slice %arg2[%dma_wait3A_310, %dma_wait3A_311] : memref<100000x128xf32, #tpu.memory_space<hbm>> -> memref<100000x128xf32, #tpu.memory_space<hbm>>
      tpu.wait_indirect_dma semaphore(%arg15 : memref<!tpu.dma_semaphore, #tpu.memory_space<semaphore_mem>>) src(%dma_wait3A_312 : memref<100000x128xf32, #tpu.memory_space<hbm>>) dst(%arg11 : memref<128x128xf32, #tpu.memory_space<vmem>>)
      %get3A_313 = arith.index_cast %add3A_306 : i32 to index
      %get3A_314 = arith.constant 0 : index
      %get3A_315 = tpu.vector_load %arg7[%get3A_313, %get3A_314] {strides = array<i32>} : memref<50x128xf32, #tpu.memory_space<vmem>>, vector<1x16xf32>,
      %get3A_316 = vector.shape_cast %get3A_315 : vector<1x16xf32> to vector<16xf32>
      %get3A_317 = arith.index_cast %add3A_306 : i32 to index
      %get3A_318 = arith.constant 16 : index
      %get3A_319 = tpu.vector_load %arg7[%get3A_317, %get3A_318] {strides = array<i32>} : memref<50x128xf32, #tpu.memory_space<vmem>>, vector<1x16xf32>,
      %get3A_320 = vector.shape_cast %get3A_319 : vector<1x16xf32> to vector<16xf32>
      %get3A_321 = arith.index_cast %add3A_306 : i32 to index
      %get3A_322 = arith.constant 32 : index
      %get3A_323 = tpu.vector_load %arg7[%get3A_321, %get3A_322] {strides = array<i32>} : memref<50x128xf32, #tpu.memory_space<vmem>>, vector<1x16xf32>,
      %get3A_324 = vector.shape_cast %get3A_323 : vector<1x16xf32> to vector<16xf32>
      %get3A_325 = arith.index_cast %add3A_306 : i32 to index
      %get3A_326 = arith.constant 48 : index
      %get3A_327 = tpu.vector_load %arg7[%get3A_325, %get3A_326] {strides = array<i32>} : memref<50x128xf32, #tpu.memory_space<vmem>>, vector<1x16xf32>,
      %get3A_328 = vector.shape_cast %get3A_327 : vector<1x16xf32> to vector<16xf32>
      %get3A_329 = arith.index_cast %add3A_306 : i32 to index
      %get3A_330 = arith.constant 64 : index
      %get3A_331 = tpu.vector_load %arg7[%get3A_329, %get3A_330] {strides = array<i32>} : memref<50x128xf32, #tpu.memory_space<vmem>>, vector<1x16xf32>,
      %get3A_332 = vector.shape_cast %get3A_331 : vector<1x16xf32> to vector<16xf32>
      %get3A_333 = arith.index_cast %add3A_306 : i32 to index
      %get3A_334 = arith.constant 80 : index
      %get3A_335 = tpu.vector_load %arg7[%get3A_333, %get3A_334] {strides = array<i32>} : memref<50x128xf32, #tpu.memory_space<vmem>>, vector<1x16xf32>,
      %get3A_336 = vector.shape_cast %get3A_335 : vector<1x16xf32> to vector<16xf32>
      %get3A_337 = arith.index_cast %add3A_306 : i32 to index
      %get3A_338 = arith.constant 96 : index
      %get3A_339 = tpu.vector_load %arg7[%get3A_337, %get3A_338] {strides = array<i32>} : memref<50x128xf32, #tpu.memory_space<vmem>>, vector<1x16xf32>,
      %get3A_340 = vector.shape_cast %get3A_339 : vector<1x16xf32> to vector<16xf32>
      %get3A_341 = arith.index_cast %add3A_306 : i32 to index
      %get3A_342 = arith.constant 112 : index
      %get3A_343 = tpu.vector_load %arg7[%get3A_341, %get3A_342] {strides = array<i32>} : memref<50x128xf32, #tpu.memory_space<vmem>>, vector<1x16xf32>,
      %get3A_344 = vector.shape_cast %get3A_343 : vector<1x16xf32> to vector<16xf32>
      %gt3A_345 = arith.constant 0 : i32
      %gt3A_346 = arith.cmpi sgt, %scan3A_157, %gt3A_345 : i32
      %convert_element_type3A_347 = arith.extui %gt3A_346 : i1 to i32
      %cond3A_348 = arith.constant 0 : i32
      %cond3A_349 = arith.cmpi ne, %convert_element_type3A_347, %cond3A_348 : i32
      scf.if %cond3A_349 {
        %dma_wait3A_454 = arith.constant 1 : i32
        %dma_wait3A_455 = arith.constant 0 : i32
        %dma_wait3A_456 = tpu.memref_slice %arg9[%dma_wait3A_454, %dma_wait3A_455] : memref<2x128xi32, #tpu.memory_space<vmem>> -> memref<1x128xi32, #tpu.memory_space<vmem>>
        %dma_wait3A_457 = tpu.memref_squeeze %dma_wait3A_456 : memref<1x128xi32, #tpu.memory_space<vmem>> -> memref<128xi32, #tpu.memory_space<vmem>>
        %dma_wait3A_458 = arith.constant 0 : i32
        %dma_wait3A_459 = arith.constant 0 : i32
        %dma_wait3A_460 = tpu.memref_slice %arg5[%dma_wait3A_458, %dma_wait3A_459] : memref<204800x128xf32, #tpu.memory_space<hbm>> -> memref<204800x128xf32, #tpu.memory_space<hbm>>
        tpu.wait_indirect_dma semaphore(%arg17 : memref<!tpu.dma_semaphore, #tpu.memory_space<semaphore_mem>>) src(%arg13 : memref<128x128xf32, #tpu.memory_space<vmem>>) dst(%dma_wait3A_460 : memref<204800x128xf32, #tpu.memory_space<hbm>>)
      } else {
      }
      %parallel_loop3A_350 = arith.constant 0 : i32
      %parallel_loop3A_351 = arith.constant 128 : i32
      %parallel_loop3A_352 = arith.constant 1 : i32
      scf.for %parallel_loop3A_454 = %parallel_loop3A_350 to %parallel_loop3A_351 step %parallel_loop3A_352  : i32 {
        %parallel_loop3A_455 = arith.index_cast %parallel_loop3A_454 : i32 to index
        %parallel_loop3A_456 = arith.constant 0 : index
        %parallel_loop3A_457 = tpu.vector_load %arg11[%parallel_loop3A_455, %parallel_loop3A_456] {strides = array<i32>} : memref<128x128xf32, #tpu.memory_space<vmem>>, vector<1x16xf32>,
        %parallel_loop3A_458 = vector.shape_cast %parallel_loop3A_457 : vector<1x16xf32> to vector<16xf32>
        %parallel_loop3A_459 = arith.addf %parallel_loop3A_458, %get3A_316 : vector<16xf32>
        %parallel_loop3A_460 = arith.index_cast %parallel_loop3A_454 : i32 to index
        %parallel_loop3A_461 = arith.constant 16 : index
        %parallel_loop3A_462 = tpu.vector_load %arg11[%parallel_loop3A_460, %parallel_loop3A_461] {strides = array<i32>} : memref<128x128xf32, #tpu.memory_space<vmem>>, vector<1x16xf32>,
        %parallel_loop3A_463 = vector.shape_cast %parallel_loop3A_462 : vector<1x16xf32> to vector<16xf32>
        %parallel_loop3A_464 = arith.addf %parallel_loop3A_463, %get3A_320 : vector<16xf32>
        %parallel_loop3A_465 = arith.index_cast %parallel_loop3A_454 : i32 to index
        %parallel_loop3A_466 = arith.constant 32 : index
        %parallel_loop3A_467 = tpu.vector_load %arg11[%parallel_loop3A_465, %parallel_loop3A_466] {strides = array<i32>} : memref<128x128xf32, #tpu.memory_space<vmem>>, vector<1x16xf32>,
        %parallel_loop3A_468 = vector.shape_cast %parallel_loop3A_467 : vector<1x16xf32> to vector<16xf32>
        %parallel_loop3A_469 = arith.addf %parallel_loop3A_468, %get3A_324 : vector<16xf32>
        %parallel_loop3A_470 = arith.index_cast %parallel_loop3A_454 : i32 to index
        %parallel_loop3A_471 = arith.constant 48 : index
        %parallel_loop3A_472 = tpu.vector_load %arg11[%parallel_loop3A_470, %parallel_loop3A_471] {strides = array<i32>} : memref<128x128xf32, #tpu.memory_space<vmem>>, vector<1x16xf32>,
        %parallel_loop3A_473 = vector.shape_cast %parallel_loop3A_472 : vector<1x16xf32> to vector<16xf32>
        %parallel_loop3A_474 = arith.addf %parallel_loop3A_473, %get3A_328 : vector<16xf32>
        %parallel_loop3A_475 = arith.index_cast %parallel_loop3A_454 : i32 to index
        %parallel_loop3A_476 = arith.constant 64 : index
        %parallel_loop3A_477 = tpu.vector_load %arg11[%parallel_loop3A_475, %parallel_loop3A_476] {strides = array<i32>} : memref<128x128xf32, #tpu.memory_space<vmem>>, vector<1x16xf32>,
        %parallel_loop3A_478 = vector.shape_cast %parallel_loop3A_477 : vector<1x16xf32> to vector<16xf32>
        %parallel_loop3A_479 = arith.addf %parallel_loop3A_478, %get3A_332 : vector<16xf32>
        %parallel_loop3A_480 = arith.index_cast %parallel_loop3A_454 : i32 to index
        %parallel_loop3A_481 = arith.constant 80 : index
        %parallel_loop3A_482 = tpu.vector_load %arg11[%parallel_loop3A_480, %parallel_loop3A_481] {strides = array<i32>} : memref<128x128xf32, #tpu.memory_space<vmem>>, vector<1x16xf32>,
        %parallel_loop3A_483 = vector.shape_cast %parallel_loop3A_482 : vector<1x16xf32> to vector<16xf32>
        %parallel_loop3A_484 = arith.addf %parallel_loop3A_483, %get3A_336 : vector<16xf32>
        %parallel_loop3A_485 = arith.index_cast %parallel_loop3A_454 : i32 to index
        %parallel_loop3A_486 = arith.constant 96 : index
        %parallel_loop3A_487 = tpu.vector_load %arg11[%parallel_loop3A_485, %parallel_loop3A_486] {strides = array<i32>} : memref<128x128xf32, #tpu.memory_space<vmem>>, vector<1x16xf32>,
        %parallel_loop3A_488 = vector.shape_cast %parallel_loop3A_487 : vector<1x16xf32> to vector<16xf32>
        %parallel_loop3A_489 = arith.addf %parallel_loop3A_488, %get3A_340 : vector<16xf32>
        %parallel_loop3A_490 = arith.index_cast %parallel_loop3A_454 : i32 to index
        %parallel_loop3A_491 = arith.constant 112 : index
        %parallel_loop3A_492 = tpu.vector_load %arg11[%parallel_loop3A_490, %parallel_loop3A_491] {strides = array<i32>} : memref<128x128xf32, #tpu.memory_space<vmem>>, vector<1x16xf32>,
        %parallel_loop3A_493 = vector.shape_cast %parallel_loop3A_492 : vector<1x16xf32> to vector<16xf32>
        %parallel_loop3A_494 = arith.addf %parallel_loop3A_493, %get3A_344 : vector<16xf32>
        %parallel_loop3A_495 = arith.index_cast %parallel_loop3A_454 : i32 to index
        %parallel_loop3A_496 = arith.constant 0 : index
        %parallel_loop3A_497 = tpu.vector_load %arg13[%parallel_loop3A_495, %parallel_loop3A_496] {strides = array<i32>} : memref<128x128xf32, #tpu.memory_space<vmem>>, vector<1x16xf32>,
        %parallel_loop3A_498 = vector.shape_cast %parallel_loop3A_497 : vector<1x16xf32> to vector<16xf32>
        %parallel_loop3A_499 = vector.shape_cast %parallel_loop3A_459 : vector<16xf32> to vector<1x16xf32>
        tpu.vector_store %arg13[%parallel_loop3A_495, %parallel_loop3A_496], %parallel_loop3A_499 {strides = array<i32>} : memref<128x128xf32, #tpu.memory_space<vmem>>, vector<1x16xf32>,
        %parallel_loop3A_500 = arith.index_cast %parallel_loop3A_454 : i32 to index
        %parallel_loop3A_501 = arith.constant 16 : index
        %parallel_loop3A_502 = tpu.vector_load %arg13[%parallel_loop3A_500, %parallel_loop3A_501] {strides = array<i32>} : memref<128x128xf32, #tpu.memory_space<vmem>>, vector<1x16xf32>,
        %parallel_loop3A_503 = vector.shape_cast %parallel_loop3A_502 : vector<1x16xf32> to vector<16xf32>
        %parallel_loop3A_504 = vector.shape_cast %parallel_loop3A_464 : vector<16xf32> to vector<1x16xf32>
        tpu.vector_store %arg13[%parallel_loop3A_500, %parallel_loop3A_501], %parallel_loop3A_504 {strides = array<i32>} : memref<128x128xf32, #tpu.memory_space<vmem>>, vector<1x16xf32>,
        %parallel_loop3A_505 = arith.index_cast %parallel_loop3A_454 : i32 to index
        %parallel_loop3A_506 = arith.constant 32 : index
        %parallel_loop3A_507 = tpu.vector_load %arg13[%parallel_loop3A_505, %parallel_loop3A_506] {strides = array<i32>} : memref<128x128xf32, #tpu.memory_space<vmem>>, vector<1x16xf32>,
        %parallel_loop3A_508 = vector.shape_cast %parallel_loop3A_507 : vector<1x16xf32> to vector<16xf32>
        %parallel_loop3A_509 = vector.shape_cast %parallel_loop3A_469 : vector<16xf32> to vector<1x16xf32>
        tpu.vector_store %arg13[%parallel_loop3A_505, %parallel_loop3A_506], %parallel_loop3A_509 {strides = array<i32>} : memref<128x128xf32, #tpu.memory_space<vmem>>, vector<1x16xf32>,
        %parallel_loop3A_510 = arith.index_cast %parallel_loop3A_454 : i32 to index
        %parallel_loop3A_511 = arith.constant 48 : index
        %parallel_loop3A_512 = tpu.vector_load %arg13[%parallel_loop3A_510, %parallel_loop3A_511] {strides = array<i32>} : memref<128x128xf32, #tpu.memory_space<vmem>>, vector<1x16xf32>,
        %parallel_loop3A_513 = vector.shape_cast %parallel_loop3A_512 : vector<1x16xf32> to vector<16xf32>
        %parallel_loop3A_514 = vector.shape_cast %parallel_loop3A_474 : vector<16xf32> to vector<1x16xf32>
        tpu.vector_store %arg13[%parallel_loop3A_510, %parallel_loop3A_511], %parallel_loop3A_514 {strides = array<i32>} : memref<128x128xf32, #tpu.memory_space<vmem>>, vector<1x16xf32>,
        %parallel_loop3A_515 = arith.index_cast %parallel_loop3A_454 : i32 to index
        %parallel_loop3A_516 = arith.constant 64 : index
        %parallel_loop3A_517 = tpu.vector_load %arg13[%parallel_loop3A_515, %parallel_loop3A_516] {strides = array<i32>} : memref<128x128xf32, #tpu.memory_space<vmem>>, vector<1x16xf32>,
        %parallel_loop3A_518 = vector.shape_cast %parallel_loop3A_517 : vector<1x16xf32> to vector<16xf32>
        %parallel_loop3A_519 = vector.shape_cast %parallel_loop3A_479 : vector<16xf32> to vector<1x16xf32>
        tpu.vector_store %arg13[%parallel_loop3A_515, %parallel_loop3A_516], %parallel_loop3A_519 {strides = array<i32>} : memref<128x128xf32, #tpu.memory_space<vmem>>, vector<1x16xf32>,
        %parallel_loop3A_520 = arith.index_cast %parallel_loop3A_454 : i32 to index
        %parallel_loop3A_521 = arith.constant 80 : index
        %parallel_loop3A_522 = tpu.vector_load %arg13[%parallel_loop3A_520, %parallel_loop3A_521] {strides = array<i32>} : memref<128x128xf32, #tpu.memory_space<vmem>>, vector<1x16xf32>,
        %parallel_loop3A_523 = vector.shape_cast %parallel_loop3A_522 : vector<1x16xf32> to vector<16xf32>
        %parallel_loop3A_524 = vector.shape_cast %parallel_loop3A_484 : vector<16xf32> to vector<1x16xf32>
        tpu.vector_store %arg13[%parallel_loop3A_520, %parallel_loop3A_521], %parallel_loop3A_524 {strides = array<i32>} : memref<128x128xf32, #tpu.memory_space<vmem>>, vector<1x16xf32>,
        %parallel_loop3A_525 = arith.index_cast %parallel_loop3A_454 : i32 to index
        %parallel_loop3A_526 = arith.constant 96 : index
        %parallel_loop3A_527 = tpu.vector_load %arg13[%parallel_loop3A_525, %parallel_loop3A_526] {strides = array<i32>} : memref<128x128xf32, #tpu.memory_space<vmem>>, vector<1x16xf32>,
        %parallel_loop3A_528 = vector.shape_cast %parallel_loop3A_527 : vector<1x16xf32> to vector<16xf32>
        %parallel_loop3A_529 = vector.shape_cast %parallel_loop3A_489 : vector<16xf32> to vector<1x16xf32>
        tpu.vector_store %arg13[%parallel_loop3A_525, %parallel_loop3A_526], %parallel_loop3A_529 {strides = array<i32>} : memref<128x128xf32, #tpu.memory_space<vmem>>, vector<1x16xf32>,
        %parallel_loop3A_530 = arith.index_cast %parallel_loop3A_454 : i32 to index
        %parallel_loop3A_531 = arith.constant 112 : index
        %parallel_loop3A_532 = tpu.vector_load %arg13[%parallel_loop3A_530, %parallel_loop3A_531] {strides = array<i32>} : memref<128x128xf32, #tpu.memory_space<vmem>>, vector<1x16xf32>,
        %parallel_loop3A_533 = vector.shape_cast %parallel_loop3A_532 : vector<1x16xf32> to vector<16xf32>
        %parallel_loop3A_534 = vector.shape_cast %parallel_loop3A_494 : vector<16xf32> to vector<1x16xf32>
        tpu.vector_store %arg13[%parallel_loop3A_530, %parallel_loop3A_531], %parallel_loop3A_534 {strides = array<i32>} : memref<128x128xf32, #tpu.memory_space<vmem>>, vector<1x16xf32>,
      } {sc.loop_unroll_factor = 4 : i64, sc.parallel_access}
      %lt3A_353 = arith.constant 24 : i32
      %lt3A_354 = arith.cmpi slt, %scan3A_157, %lt3A_353 : i32
      %convert_element_type3A_355 = arith.extui %lt3A_354 : i1 to i32
      %cond3A_356 = arith.constant 0 : i32
      %cond3A_357 = arith.cmpi ne, %convert_element_type3A_355, %cond3A_356 : i32
      scf.if %cond3A_357 {
        %add3A_454 = arith.constant 2 : i32
        %add3A_455 = arith.addi %add3A_306, %add3A_454 : i32
        %dma_start3A_456 = arith.constant 0 : i32
        %dma_start3A_457 = tpu.memref_slice %arg6[%add3A_455, %dma_start3A_456] : memref<50x128xi32, #tpu.memory_space<vmem>> -> memref<1x128xi32, #tpu.memory_space<vmem>>
        %dma_start3A_458 = tpu.memref_squeeze %dma_start3A_457 : memref<1x128xi32, #tpu.memory_space<vmem>> -> memref<128xi32, #tpu.memory_space<vmem>>
        %dma_start3A_459 = arith.constant 0 : i32
        %dma_start3A_460 = arith.constant 0 : i32
        %dma_start3A_461 = tpu.memref_slice %arg2[%dma_start3A_459, %dma_start3A_460] : memref<100000x128xf32, #tpu.memory_space<hbm>> -> memref<100000x128xf32, #tpu.memory_space<hbm>>
        tpu.enqueue_indirect_dma source(%dma_start3A_461 : memref<100000x128xf32, #tpu.memory_space<hbm>>) target(%arg11 : memref<128x128xf32, #tpu.memory_space<vmem>>) offsets(%dma_start3A_458 : memref<128xi32, #tpu.memory_space<vmem>>) semaphore(%arg15 : memref<!tpu.dma_semaphore, #tpu.memory_space<semaphore_mem>>)
      } else {
      }
      %add3A_358 = arith.addi %add3A_137, %add3A_306 : i32
      %get3A_359 = arith.constant 0 : index
      %get3A_360 = tpu.vector_load %arg8[%get3A_359] {strides = array<i32>} : memref<128xi32, #tpu.memory_space<vmem>>, vector<16xi32>,
      %get3A_361 = vector.shape_cast %get3A_360 : vector<16xi32> to vector<16xi32>
      %add3A_362 = vector.broadcast %add3A_358 : i32 to vector<16xi32>
      %add3A_363 = arith.addi %get3A_361, %add3A_362 : vector<16xi32>
      %swap3A_364 = arith.constant 1 : i32
      %swap3A_365 = arith.index_cast %swap3A_364 : i32 to index
      %swap3A_366 = arith.constant 0 : index
      %swap3A_367 = tpu.vector_load %arg9[%swap3A_365, %swap3A_366] {strides = array<i32>} : memref<2x128xi32, #tpu.memory_space<vmem>>, vector<1x16xi32>,
      %swap3A_368 = vector.shape_cast %swap3A_367 : vector<1x16xi32> to vector<16xi32>
      %swap3A_369 = vector.shape_cast %add3A_363 : vector<16xi32> to vector<1x16xi32>
      tpu.vector_store %arg9[%swap3A_365, %swap3A_366], %swap3A_369 {strides = array<i32>} : memref<2x128xi32, #tpu.memory_space<vmem>>, vector<1x16xi32>,
      %get3A_370 = arith.constant 16 : index
      %get3A_371 = tpu.vector_load %arg8[%get3A_370] {strides = array<i32>} : memref<128xi32, #tpu.memory_space<vmem>>, vector<16xi32>,
      %get3A_372 = vector.shape_cast %get3A_371 : vector<16xi32> to vector<16xi32>
      %add3A_373 = vector.broadcast %add3A_358 : i32 to vector<16xi32>
      %add3A_374 = arith.addi %get3A_372, %add3A_373 : vector<16xi32>
      %swap3A_375 = arith.constant 1 : i32
      %swap3A_376 = arith.index_cast %swap3A_375 : i32 to index
      %swap3A_377 = arith.constant 16 : index
      %swap3A_378 = tpu.vector_load %arg9[%swap3A_376, %swap3A_377] {strides = array<i32>} : memref<2x128xi32, #tpu.memory_space<vmem>>, vector<1x16xi32>,
      %swap3A_379 = vector.shape_cast %swap3A_378 : vector<1x16xi32> to vector<16xi32>
      %swap3A_380 = vector.shape_cast %add3A_374 : vector<16xi32> to vector<1x16xi32>
      tpu.vector_store %arg9[%swap3A_376, %swap3A_377], %swap3A_380 {strides = array<i32>} : memref<2x128xi32, #tpu.memory_space<vmem>>, vector<1x16xi32>,
      %get3A_381 = arith.constant 32 : index
      %get3A_382 = tpu.vector_load %arg8[%get3A_381] {strides = array<i32>} : memref<128xi32, #tpu.memory_space<vmem>>, vector<16xi32>,
      %get3A_383 = vector.shape_cast %get3A_382 : vector<16xi32> to vector<16xi32>
      %add3A_384 = vector.broadcast %add3A_358 : i32 to vector<16xi32>
      %add3A_385 = arith.addi %get3A_383, %add3A_384 : vector<16xi32>
      %swap3A_386 = arith.constant 1 : i32
      %swap3A_387 = arith.index_cast %swap3A_386 : i32 to index
      %swap3A_388 = arith.constant 32 : index
      %swap3A_389 = tpu.vector_load %arg9[%swap3A_387, %swap3A_388] {strides = array<i32>} : memref<2x128xi32, #tpu.memory_space<vmem>>, vector<1x16xi32>,
      %swap3A_390 = vector.shape_cast %swap3A_389 : vector<1x16xi32> to vector<16xi32>
      %swap3A_391 = vector.shape_cast %add3A_385 : vector<16xi32> to vector<1x16xi32>
      tpu.vector_store %arg9[%swap3A_387, %swap3A_388], %swap3A_391 {strides = array<i32>} : memref<2x128xi32, #tpu.memory_space<vmem>>, vector<1x16xi32>,
      %get3A_392 = arith.constant 48 : index
      %get3A_393 = tpu.vector_load %arg8[%get3A_392] {strides = array<i32>} : memref<128xi32, #tpu.memory_space<vmem>>, vector<16xi32>,
      %get3A_394 = vector.shape_cast %get3A_393 : vector<16xi32> to vector<16xi32>
      %add3A_395 = vector.broadcast %add3A_358 : i32 to vector<16xi32>
      %add3A_396 = arith.addi %get3A_394, %add3A_395 : vector<16xi32>
      %swap3A_397 = arith.constant 1 : i32
      %swap3A_398 = arith.index_cast %swap3A_397 : i32 to index
      %swap3A_399 = arith.constant 48 : index
      %swap3A_400 = tpu.vector_load %arg9[%swap3A_398, %swap3A_399] {strides = array<i32>} : memref<2x128xi32, #tpu.memory_space<vmem>>, vector<1x16xi32>,
      %swap3A_401 = vector.shape_cast %swap3A_400 : vector<1x16xi32> to vector<16xi32>
      %swap3A_402 = vector.shape_cast %add3A_396 : vector<16xi32> to vector<1x16xi32>
      tpu.vector_store %arg9[%swap3A_398, %swap3A_399], %swap3A_402 {strides = array<i32>} : memref<2x128xi32, #tpu.memory_space<vmem>>, vector<1x16xi32>,
      %get3A_403 = arith.constant 64 : index
      %get3A_404 = tpu.vector_load %arg8[%get3A_403] {strides = array<i32>} : memref<128xi32, #tpu.memory_space<vmem>>, vector<16xi32>,
      %get3A_405 = vector.shape_cast %get3A_404 : vector<16xi32> to vector<16xi32>
      %add3A_406 = vector.broadcast %add3A_358 : i32 to vector<16xi32>
      %add3A_407 = arith.addi %get3A_405, %add3A_406 : vector<16xi32>
      %swap3A_408 = arith.constant 1 : i32
      %swap3A_409 = arith.index_cast %swap3A_408 : i32 to index
      %swap3A_410 = arith.constant 64 : index
      %swap3A_411 = tpu.vector_load %arg9[%swap3A_409, %swap3A_410] {strides = array<i32>} : memref<2x128xi32, #tpu.memory_space<vmem>>, vector<1x16xi32>,
      %swap3A_412 = vector.shape_cast %swap3A_411 : vector<1x16xi32> to vector<16xi32>
      %swap3A_413 = vector.shape_cast %add3A_407 : vector<16xi32> to vector<1x16xi32>
      tpu.vector_store %arg9[%swap3A_409, %swap3A_410], %swap3A_413 {strides = array<i32>} : memref<2x128xi32, #tpu.memory_space<vmem>>, vector<1x16xi32>,
      %get3A_414 = arith.constant 80 : index
      %get3A_415 = tpu.vector_load %arg8[%get3A_414] {strides = array<i32>} : memref<128xi32, #tpu.memory_space<vmem>>, vector<16xi32>,
      %get3A_416 = vector.shape_cast %get3A_415 : vector<16xi32> to vector<16xi32>
      %add3A_417 = vector.broadcast %add3A_358 : i32 to vector<16xi32>
      %add3A_418 = arith.addi %get3A_416, %add3A_417 : vector<16xi32>
      %swap3A_419 = arith.constant 1 : i32
      %swap3A_420 = arith.index_cast %swap3A_419 : i32 to index
      %swap3A_421 = arith.constant 80 : index
      %swap3A_422 = tpu.vector_load %arg9[%swap3A_420, %swap3A_421] {strides = array<i32>} : memref<2x128xi32, #tpu.memory_space<vmem>>, vector<1x16xi32>,
      %swap3A_423 = vector.shape_cast %swap3A_422 : vector<1x16xi32> to vector<16xi32>
      %swap3A_424 = vector.shape_cast %add3A_418 : vector<16xi32> to vector<1x16xi32>
      tpu.vector_store %arg9[%swap3A_420, %swap3A_421], %swap3A_424 {strides = array<i32>} : memref<2x128xi32, #tpu.memory_space<vmem>>, vector<1x16xi32>,
      %get3A_425 = arith.constant 96 : index
      %get3A_426 = tpu.vector_load %arg8[%get3A_425] {strides = array<i32>} : memref<128xi32, #tpu.memory_space<vmem>>, vector<16xi32>,
      %get3A_427 = vector.shape_cast %get3A_426 : vector<16xi32> to vector<16xi32>
      %add3A_428 = vector.broadcast %add3A_358 : i32 to vector<16xi32>
      %add3A_429 = arith.addi %get3A_427, %add3A_428 : vector<16xi32>
      %swap3A_430 = arith.constant 1 : i32
      %swap3A_431 = arith.index_cast %swap3A_430 : i32 to index
      %swap3A_432 = arith.constant 96 : index
      %swap3A_433 = tpu.vector_load %arg9[%swap3A_431, %swap3A_432] {strides = array<i32>} : memref<2x128xi32, #tpu.memory_space<vmem>>, vector<1x16xi32>,
      %swap3A_434 = vector.shape_cast %swap3A_433 : vector<1x16xi32> to vector<16xi32>
      %swap3A_435 = vector.shape_cast %add3A_429 : vector<16xi32> to vector<1x16xi32>
      tpu.vector_store %arg9[%swap3A_431, %swap3A_432], %swap3A_435 {strides = array<i32>} : memref<2x128xi32, #tpu.memory_space<vmem>>, vector<1x16xi32>,
      %get3A_436 = arith.constant 112 : index
      %get3A_437 = tpu.vector_load %arg8[%get3A_436] {strides = array<i32>} : memref<128xi32, #tpu.memory_space<vmem>>, vector<16xi32>,
      %get3A_438 = vector.shape_cast %get3A_437 : vector<16xi32> to vector<16xi32>
      %add3A_439 = vector.broadcast %add3A_358 : i32 to vector<16xi32>
      %add3A_440 = arith.addi %get3A_438, %add3A_439 : vector<16xi32>
      %swap3A_441 = arith.constant 1 : i32
      %swap3A_442 = arith.index_cast %swap3A_441 : i32 to index
      %swap3A_443 = arith.constant 112 : index
      %swap3A_444 = tpu.vector_load %arg9[%swap3A_442, %swap3A_443] {strides = array<i32>} : memref<2x128xi32, #tpu.memory_space<vmem>>, vector<1x16xi32>,
      %swap3A_445 = vector.shape_cast %swap3A_444 : vector<1x16xi32> to vector<16xi32>
      %swap3A_446 = vector.shape_cast %add3A_440 : vector<16xi32> to vector<1x16xi32>
      tpu.vector_store %arg9[%swap3A_442, %swap3A_443], %swap3A_446 {strides = array<i32>} : memref<2x128xi32, #tpu.memory_space<vmem>>, vector<1x16xi32>,
      %dma_start3A_447 = arith.constant 1 : i32
      %dma_start3A_448 = arith.constant 0 : i32
      %dma_start3A_449 = tpu.memref_slice %arg9[%dma_start3A_447, %dma_start3A_448] : memref<2x128xi32, #tpu.memory_space<vmem>> -> memref<1x128xi32, #tpu.memory_space<vmem>>
      %dma_start3A_450 = tpu.memref_squeeze %dma_start3A_449 : memref<1x128xi32, #tpu.memory_space<vmem>> -> memref<128xi32, #tpu.memory_space<vmem>>
      %dma_start3A_451 = arith.constant 0 : i32
      %dma_start3A_452 = arith.constant 0 : i32
      %dma_start3A_453 = tpu.memref_slice %arg5[%dma_start3A_451, %dma_start3A_452] : memref<204800x128xf32, #tpu.memory_space<hbm>> -> memref<204800x128xf32, #tpu.memory_space<hbm>>
      tpu.enqueue_indirect_dma source(%arg13 : memref<128x128xf32, #tpu.memory_space<vmem>>) target(%dma_start3A_453 : memref<204800x128xf32, #tpu.memory_space<hbm>>) offsets(%dma_start3A_450 : memref<128xi32, #tpu.memory_space<vmem>>) semaphore(%arg17 : memref<!tpu.dma_semaphore, #tpu.memory_space<semaphore_mem>>)
    }
    %scan3A_142 = arith.constant 25 : i32
    %dma_wait3A_143 = arith.constant 0 : i32
    %dma_wait3A_144 = arith.constant 0 : i32
    %dma_wait3A_145 = tpu.memref_slice %arg9[%dma_wait3A_143, %dma_wait3A_144] : memref<2x128xi32, #tpu.memory_space<vmem>> -> memref<1x128xi32, #tpu.memory_space<vmem>>
    %dma_wait3A_146 = tpu.memref_squeeze %dma_wait3A_145 : memref<1x128xi32, #tpu.memory_space<vmem>> -> memref<128xi32, #tpu.memory_space<vmem>>
    %dma_wait3A_147 = arith.constant 0 : i32
    %dma_wait3A_148 = arith.constant 0 : i32
    %dma_wait3A_149 = tpu.memref_slice %arg5[%dma_wait3A_147, %dma_wait3A_148] : memref<204800x128xf32, #tpu.memory_space<hbm>> -> memref<204800x128xf32, #tpu.memory_space<hbm>>
    tpu.wait_indirect_dma semaphore(%arg16 : memref<!tpu.dma_semaphore, #tpu.memory_space<semaphore_mem>>) src(%arg12 : memref<128x128xf32, #tpu.memory_space<vmem>>) dst(%dma_wait3A_149 : memref<204800x128xf32, #tpu.memory_space<hbm>>)
    %dma_wait3A_150 = arith.constant 1 : i32
    %dma_wait3A_151 = arith.constant 0 : i32
    %dma_wait3A_152 = tpu.memref_slice %arg9[%dma_wait3A_150, %dma_wait3A_151] : memref<2x128xi32, #tpu.memory_space<vmem>> -> memref<1x128xi32, #tpu.memory_space<vmem>>
    %dma_wait3A_153 = tpu.memref_squeeze %dma_wait3A_152 : memref<1x128xi32, #tpu.memory_space<vmem>> -> memref<128xi32, #tpu.memory_space<vmem>>
    %dma_wait3A_154 = arith.constant 0 : i32
    %dma_wait3A_155 = arith.constant 0 : i32
    %dma_wait3A_156 = tpu.memref_slice %arg5[%dma_wait3A_154, %dma_wait3A_155] : memref<204800x128xf32, #tpu.memory_space<hbm>> -> memref<204800x128xf32, #tpu.memory_space<hbm>>
    tpu.wait_indirect_dma semaphore(%arg17 : memref<!tpu.dma_semaphore, #tpu.memory_space<semaphore_mem>>) src(%arg13 : memref<128x128xf32, #tpu.memory_space<vmem>>) dst(%dma_wait3A_156 : memref<204800x128xf32, #tpu.memory_space<hbm>>)
    return
  }
}

</mosaic_0001>

<sc_bundles>
// kernel: kernel.3.cloned.1.call-start
scs
__scs_entry_jumppad:
0x0: {  	(pc) =	sbr.rel $0x88, $3  }
0x1: {  	(tag) =	ssettag $0x0;
	lr =	simm.s32 $0x1  }
0x2: {  	[smem:$0x3F9E] =	sst lr;
	_ =	strace $0xD0000000  }
0x3: {  	_ = 	snop  }
0x4: {  	_ = 	snop  }
0x5: {  	_ = 	snop  }
0x6: {  	_ = 	snop  }
0x7: {  	_ = 	snop  }
__scs_overlays_trampoline_lowered:
0x8: {  	[smem:$0x3FAD] =	sst s0  }
0x9: {  	[smem:$0x3FAE] =	sst s1  }
0xa: {  	[smem:$0x3FAF] =	sst s2  }
0xb: {  	[smem:$0x3FB0] =	sst s3  }
0xc: {  	[smem:$0x3FB1] =	sst s4  }
0xd: {  	[smem:$0x3FB2] =	sst s5  }
0xe: {  	[smem:$0x3FB3] =	sst s6  }
0xf: {  	[smem:$0x3FB4] =	sst s7  }
0x10: {  	[smem:$0x3FB5] =	sst s8  }
0x11: {  	[smem:$0x3FB6] =	sst s9;
	s0 =	simm.s32 @!p0 $0x0  }
0x12: {  	s1 =	sld [smem:$0x3F9C];
	s0 =	simm.s32 @p0 $0x1  }
0x13: {  	[smem:$0x3FB7] =	sst s0;
	s0 =	simm.s32 @!p1 $0x0  }
0x14: {  	s2 =	sld [smem:$0x3F9B];
	s0 =	simm.s32 @p1 $0x1  }
0x15: {  	[smem:$0x3FB8] =	sst s0;
	s0 =	simm.s32 @!p2 $0x0  }
0x16: {  	s3 =	sld [smem:$0x3FDB];
	s0 =	simm.s32 @p2 $0x1  }
0x17: {  	s4 =	simm.s32 $0x1BF5;
	[smem:$0x3FBA] =	sst s0  }
0x18: {  	s0 =	sld [smem:$0x3F9D];
	_ =	swait.ge [sflag:s4], $0x0  }
0x19: {  	s7 =	sld [smem:$0x3F9E]  }
0x1a: {  	s8 =	sadd.s32 $0xFFFFE003, lr  }
0x1b: {  	s9 =	sadd.s32 $0xFFFFFEF7, lr;
	s5 =	simm.s32 $0xFFFFFFFF;
	p2 =	slt.u32 s8, $0xFFFFF086  }
0x1c: {  	p1 =	slt.u32 s9, $0xF7A;
	s5 =	simm.s32 @!p2 $0x0  }
0x1d: {  	s5 =	simm.s32 @p1 $0x1;
	p0 =	seq.s32 s7, s2  }
0x1e: {  	s7 =	smul.u32 @!p0 $0xF7A, s2;
	p2 =	seq.s32 @!p0 s5, $0x0  }
0x1f: {  	s9 =	smul.u32 $0xF7A, s1;
	s8 =	simm.s32 @!p0 $0x1BF5;
	p2 =	por !p2, p0  }
0x20: {  	[sflag:s8] =	ssyncset.s32 @!p0 $0xFFFFF086;
	s6 =	sadd.s32 @!p0 s3, s7;
	s7 =	simm.s32 @!p0 $0x108  }
0x21: {  	s3 =	sadd.s32 s3, s9;
	s6 =	sadd.s32 @!p0 $0x88, s6;
	s7 =	simm.s32 @p2 $0x1082  }
0x22: {  	[simem:s7], [sflag:s8] =	dma.local @!p0 [hbm:s6], $0xF7A  }
0x23: {  	s9 =	sor.u32 $0xD0000000, s2;
	s6 =	simm.s32 $0x108;
	_ =	swait.ge @!p0 [sflag:s8], $0x0  }
0x24: {  	s3 =	sadd.s32 $0x88, s3;
	s6 =	simm.s32 @!p1 $0x1082;
	[sflag:s4] =	ssyncset.s32 $0xFFFFF086  }
0x25: {  	[simem:s6], [sflag:s4] =	dma.local [hbm:s3], $0xF7A  }
0x26: {  	[smem:$0x3F9E] =	sst s1;
	(tag) =	ssettag s2;
	_ =	strace s9  }
0x27: {  	s1 =	sld [smem:$0x3FAE]  }
0x28: {  	s2 =	sld [smem:$0x3FAF]  }
0x29: {  	s4 =	sld [smem:$0x3FB1]  }
0x2a: {  	p0 =	seq.s32 s5, $0x0;
	s5 =	sld [smem:$0x3FB2]  }
0x2b: {  	s6 =	sld [smem:$0x3FB3]  }
0x2c: {  	s7 =	sld [smem:$0x3FB4]  }
0x2d: {  	s3 =	simm.s32 $0x108;
	s8 =	sld [smem:$0x3FB5]  }
0x2e: {  	s3 =	simm.s32 @!p0 $0x1082;
	s9 =	sld [smem:$0x3FB6]  }
0x2f: {  	lr =	sadd.s32 s0, s3;
	s0 =	sld [smem:$0x3FAD]  }
0x30: {  	s3 =	sld [smem:$0x3FB0]  }
0x31: {  	[smem:$0x3FB9] =	sst s10  }
0x32: {  	s10 =	sld [smem:$0x3FB7];
	_ =	sdelay $0x3  }
0x33: {  	p0 =	seq.s32 s10, $0x1;
	s10 =	sld [smem:$0x3FB9];
	_ =	sdelay $0x3  }
0x34: {  	[smem:$0x3FB9] =	sst s10  }
0x35: {  	s10 =	sld [smem:$0x3FB8];
	_ =	sdelay $0x3  }
0x36: {  	p1 =	seq.s32 s10, $0x1;
	s10 =	sld [smem:$0x3FB9];
	_ =	sdelay $0x3  }
0x37: {  	[smem:$0x3FB9] =	sst s10  }
0x38: {  	s10 =	sld [smem:$0x3FBA]  }
0x39: {  	_ = 	snop;
	(pc) =	sbr.ind lr, $3  }
0x3a: {  	_ = 	snop  }
0x3b: {  	_ = 	snop  }
0x3c: {  	p2 =	seq.s32 s10, $0x1;
	s10 =	sld [smem:$0x3FB9]  }
0x3d: {  	_ =	shalt  }
0x3e: {  	_ =	shalt  }
0x3f: {  	_ =	shalt  }
0x40: {  	_ =	shalt  }
0x41: {  	_ =	shalt  }
0x42: {  	_ =	shalt  }
0x43: {  	_ =	shalt  }
0x44: {  	_ =	shalt  }
0x45: {  	_ =	shalt  }
0x46: {  	_ =	shalt  }
0x47: {  	_ =	shalt  }
0x48: {  	_ =	shalt  }
0x49: {  	_ =	shalt  }
0x4a: {  	_ =	shalt  }
0x4b: {  	_ =	shalt  }
0x4c: {  	_ =	shalt  }
0x4d: {  	_ =	shalt  }
0x4e: {  	_ =	shalt  }
0x4f: {  	_ =	shalt  }
0x50: {  	_ =	shalt  }
0x51: {  	_ =	shalt  }
0x52: {  	_ =	shalt  }
0x53: {  	_ =	shalt  }
0x54: {  	_ =	shalt  }
0x55: {  	_ =	shalt  }
0x56: {  	_ =	shalt  }
0x57: {  	_ =	shalt  }
0x58: {  	_ =	shalt  }
0x59: {  	_ =	shalt  }
0x5a: {  	_ =	shalt  }
0x5b: {  	_ =	shalt  }
0x5c: {  	_ =	shalt  }
0x5d: {  	_ =	shalt  }
0x5e: {  	_ =	shalt  }
0x5f: {  	_ =	shalt  }
0x60: {  	_ =	shalt  }
0x61: {  	_ =	shalt  }
0x62: {  	_ =	shalt  }
0x63: {  	_ =	shalt  }
0x64: {  	_ =	shalt  }
0x65: {  	_ =	shalt  }
0x66: {  	_ =	shalt  }
0x67: {  	_ =	shalt  }
0x68: {  	_ =	shalt  }
0x69: {  	_ =	shalt  }
0x6a: {  	_ =	shalt  }
0x6b: {  	_ =	shalt  }
0x6c: {  	_ =	shalt  }
0x6d: {  	_ =	shalt  }
0x6e: {  	_ =	shalt  }
0x6f: {  	_ =	shalt  }
0x70: {  	_ =	shalt  }
0x71: {  	_ =	shalt  }
0x72: {  	_ =	shalt  }
0x73: {  	_ =	shalt  }
0x74: {  	_ =	shalt  }
0x75: {  	_ =	shalt  }
0x76: {  	_ =	shalt  }
0x77: {  	_ =	shalt  }
0x78: {  	_ =	shalt  }
0x79: {  	_ =	shalt  }
0x7a: {  	_ =	shalt  }
0x7b: {  	_ =	shalt  }
0x7c: {  	_ =	shalt  }
0x7d: {  	_ =	shalt  }
0x7e: {  	_ =	shalt  }
0x7f: {  	_ =	shalt  }
0x80: {  	_ =	shalt  }
0x81: {  	_ =	shalt  }
0x82: {  	_ =	shalt  }
0x83: {  	_ =	shalt  }
0x84: {  	_ =	shalt  }
0x85: {  	_ =	shalt  }
0x86: {  	_ =	shalt  }
0x87: {  	_ =	shalt  }
.Lfunc_end0:
.L_simem_size_0:
called_computation_lowered:
.L_overlay_start_0:
0x88: {  	s2 =	sld [smem:$0x3FD9]  }
0x89: {  	s3 =	sld [smem:$0x3FFE];
	_ =	sdelay $0x1  }
0x8a: {  	s1 =	srdreg.scid  }
0x8b: {  	s0 =	sand.u32 $0x1, s1  }
0x8c: {  	s17 =	sshll.u32 s0, $0xA;
	s2 =	sadd.s32 s3, s2  }
0x8d: {  	s2 =	sadd.s32 s2, s17  }
0x8e: {  	[smem:$0x3FC5] =	sst s2  }
0x8f: {  	_ = 	snop  }
0x90: {  	s2 =	sld [smem:$0x3FC8]  }
0x91: {  	s18 =	sld [smem:$0x3FD0];
	(tm) =	ssettm $0x1  }
0x92: {  	s4 =	sld [smem:$0x3FFB];
	_ =	sdelay $0x3  }
0x93: {  	_ =	strace s4  }
0x94: {  	s4 =	sld [smem:$0x3FFC];
	_ =	sdelay $0x3  }
0x95: {  	_ =	strace s4  }
0x96: {  	s4 =	sld [smem:$0x3FFD];
	_ =	sdelay $0x3  }
0x97: {  	_ =	strace s4  }
0x98: {  	_ =	strace $0x8FFFFFFF  }
0x99: {  	s19 =	sld [smem:$0x3FDB];
	_ =	sdelay $0x1  }
0x9a: {  	s5 =	simm.s32 $_scs_section_size  }
0x9b: {  	s6 =	simm.s32 $_size__tile_overlayer_lowered;
	s7 =	simm.s32 $_tile_overlayer_lowered  }
0x9c: {  	s22 =	simm.s32 $0x1BFF;
	s21 =	sshll.u32 s7, $0x1;
	s4 =	sadd.s32 s5, s19  }
0x9d: {  	s8 =	simm.s32 $0x0;
	s20 =	sshll.u32 s6, $0x1;
	s6 =	sadd.s32 s21, s4  }
0x9e: {  	[timem:s8], [sflag:s22] =	dma.local [hbm:s6], s20  }
0x9f: {  	_ =	swait.ge [sflag:s22], s20  }
0xa0: {  	s5 =	ssub.s32 $0x0, s20;
	[sflag:s22] =	ssyncset.done $0x0  }
0xa1: {  	[sflag:s22] =	ssyncadd.s32 s5;
	_ =	sdelay $0x1  }
0xa2: {  	s23 =	simm.s32 $0x1B8B  }
0xa3: {  	_ =	swait.ge [sflag:s23], $0x1  }
0xa4: {  	[sflag:s23] =	ssyncset.done $0x0  }
0xa5: {  	s25 =	simm.s32 $0x1B8E;
	s24 =	sld [smem:$0x3FFE];
	[sflag:s23] =	ssyncadd.s32 $0xFFFFFFFF  }
0xa6: {  	s26 =	simm.s32 $execute0_lowered;
	[smem:$0x3FD2] =	sst s25  }
0xa7: {  	s6 =	sshll.u32 s26, $0x1;
	_ =	strace $0x80000046;
	[dreg:$0x1] =	wrdreg $0xFFFFFFFF  }
0xa8: {  	s28 =	simm.s32 $_size_execute0_lowered;
	s4 =	sadd.s32 s4, s6;
	[dreg:$0x0] =	wrdreg $0x0  }
0xa9: {  	s6 =	sshll.u32 s28, $0x1;
	[dreg:$0x2] =	wrdreg s4  }
0xaa: {  	[dreg:$0x3] =	wrdreg s6  }
0xab: {  	[dreg:$0x4] =	wrdreg $0xC0  }
0xac: {  	_ =	task [dreg:s8], $0x5FFFF  }
0xad: {  	[dreg:$0x1] =	wrdreg $0xFFFFFFFF  }
0xae: {  	[dreg:$0x0] =	wrdreg $0x60  }
0xaf: {  	[dreg:$0x2] =	wrdreg s2  }
0xb0: {  	[dreg:$0x3] =	wrdreg s24  }
0xb1: {  	[dreg:$0x4] =	wrdreg s18  }
0xb2: {  	[dreg:$0x5] =	wrdreg $0x9  }
0xb3: {  	_ =	task.clear_ibuf [dreg:s8], $0x6FFFF;
	_ =	strace $0x90000046  }
0xb4: {  	s29 =	simm.s32 $0x9;
	_ =	strace $0x80000048  }
0xb5: {  	_ =	swait.ge [sflag:s29], $0x1  }
0xb6: {  	[sflag:s29] =	ssyncadd.s32 $0xFFFFFFFF  }
0xb7: {  	_ =	strace $0x90000048  }
0xb8: {  	_ =	sfence  }
0xb9: {  	s30 =	sld [smem:$0x0];
	_ =	sdelay $0x2  }
0xba: {  	s31 =	sshll.u32 s1, $0xD;
	s1 =	sshrl.u32 s1, $0x2  }
0xbb: {  	s3 =	sand.u32 $0x4000, s31;
	s1 =	sadd.s32 s1, s30  }
0xbc: {  	s0 =	sor.u32 s3, s0;
	s1 =	sshll.u32 s1, $0x11  }
0xbd: {  	s0 =	sor.u32 s1, s0  }
0xbe: {  	s0 =	sadd.s32 $0x8F2B, s0  }
0xbf: {  	[sflag:s0] =	ssyncadd.remote.s32 $0x1  }
0xc0: {  	_ =	sfence.sel $0xFFFF  }
0xc1: {  	[dreg:$0x0] =	wrdreg $0xFFFFFFFF;
	(pc) =	sbr.abs _section_cstart, $3  }
0xc2: {  	[dreg:$0x1] =	wrdreg $0xFFFFFFFF  }
0xc3: {  	_ =	task.clear_ibuf [dreg:s8], $0x2FFFF;
	_ =	strace $0x9FFFFFFF  }
0xc4: {  	(tm) =	ssettm $0x7FFFFFFF  }
0xc5: {  	_ =	shalt  }
tec
execute0_lowered:
.L_overlay_start_1:
0x0: {  	(tag) =	ssettag $0x1  }
0x1: {  	s1 =	rddreg [dreg:$0x0]  }
0x2: {  	s2 =	srdreg.scid;
	s5 =	rddreg [dreg:$0x1]  }
0x3: {  	s0 =	stileid.u32;
	s3 =	rddreg [dreg:$0x2]  }
0x4: {  	s12 =	simm.s32 $0x3980;
	s13 =	simm.s32 $0x7980;
	s14 =	simm.s32 $0x4  }
0x5: {  	s15 =	simm.s32 $0x1;
	s16 =	simm.s32 $0x3880;
	s17 =	simm.s32 $0xB980  }
0x6: {  	s18 =	simm.s32 $0x2;
	s19 =	simm.s32 $0x3900;
	s20 =	simm.s32 $0xF980  }
0x7: {  	s21 =	simm.s32 $0x3;
	s22 =	simm.s32 $0x0;
	s6 =	sand.u32 $0x1, s2  }
0x8: {  	s30 =	sshll.u32 s0, $0x1;
	s2 =	rddreg [dreg:$0x3];
	s10 =	sshrl.u32 s0, $0x1  }
0x9: {  	s4 =	sor.u32 s6, s30;
	s6 =	ssub.s32 $0x2, s6;
	s10 =	smul.u32 $0x6400, s10  }
0xa: {  	v0 =	vlaneseq.u32;
	s7 =	smul.u32 $0x380, s4;
	s8 =	sand.u32 $0x3, s4;
	s4 =	simm.s32 $0x0  }
0xb: {  	v0 =	vmul.u32 $0xC8, v0;
	s11 =	sshrl.u32 s6, $0x1;
	s9 =	smul.u32 $0x380, s8;
	[smem:$0x7FF] =	sst s4  }
0xc: {  	s8 =	smul.u32 $0x32, s8;
	s31 =	ssub.s32 s6, s11;
	s11 =	simm.s32 $0x80  }
0xd: {  	v1 =	vadd.s32 $0xC80, v0;
	_ =	strace $0x80000047;
	s7 =	sadd.s32 s7, s5;
	s5 =	sadd.s32 s9, s5  }
0xe: {  	v2 =	vadd.s32 $0x1900, v0;
	v3 =	vadd.s32 $0x2580, v0;
	v4 =	vadd.s32 $0x3200, v0;
	s6 =	sadd.s32 $0x1600, s7;
	s7 =	sor.u32 s10, s8;
	s8 =	smax.u32 s31, $0x1  }
0xf: {  	v5 =	vadd.s32 $0x3E80, v0;
	v6 =	vadd.s32 $0x4B00, v0;
	v7 =	vadd.s32 $0x5780, v0;
	s9 =	simm.s32 $0x1C00;
	s10 =	simm.s32 $0x5;
	s5 =	sadd.s32 $0x800, s5  }
.LBB2_1:
0x10: {  	[tilespmem:s9], [sflag:$0x4] =	stream.linear.gather [hbm4b:s5+s4], $0x1900, $0x38;
	[tilespmem:$0x13980] =	vst v63  }
0x11: {  	_ = 	snop  }
0x12: {  	[tilespmem:s4], [sflag:$0x5] =	stream.linear.gather [hbm4b:s6+s4], $0x400, $0x38;
	[tilespmem:$0x13980] =	vst v63  }
0x13: {  	_ =	swait.ge [sflag:s10], $0x400  }
0x14: {  	[sflag:s10] =	ssyncset.done $0x0  }
0x15: {  	[sflag:s10] =	ssyncadd.s32 $0xFFFFFC00  }
0x16: {  	[tilespmem:s12], [sflag:$0x1] =	stream.indirect.gather [hbm4b:s1+s11], $0x80, s4, s11, $0xb8;
	[tilespmem:$0x13980] =	vst v63  }
0x17: {  	_ = 	snop  }
0x18: {  	[tilespmem:s13], [sflag:$0x2] =	stream.indirect.gather [hbm4b:s1+s11], $0x80, s11, s11, $0xb8;
	[tilespmem:$0x13980] =	vst v63  }
0x19: {  	_ = 	snop  }
0x1a: {  	[tilespmem:s4], [sflag:$0x5] =	stream.linear.gather [hbm4b:s6+s4], $0x1900, $0x38;
	[tilespmem:$0x13980] =	vst v63  }
0x1b: {  	_ =	swait.ge [sflag:s10], $0x1900  }
0x1c: {  	[sflag:s10] =	ssyncset.done $0x0  }
0x1d: {  	[sflag:s10] =	ssyncadd.s32 $0xFFFFE700  }
0x1e: {  	_ =	swait.ge [sflag:s14], $0x1900  }
0x1f: {  	[sflag:s14] =	ssyncset.done $0x0  }
0x20: {  	[sflag:s14] =	ssyncadd.s32 $0xFFFFE700  }
0x21: {  	[tilespmem:$0x3800] =	vst v0  }
0x22: {  	[tilespmem:$0x3810] =	vst v1  }
0x23: {  	[tilespmem:$0x3820] =	vst v2  }
0x24: {  	[tilespmem:$0x3830] =	vst v3  }
0x25: {  	[tilespmem:$0x3840] =	vst v4  }
0x26: {  	[tilespmem:$0x3850] =	vst v5  }
0x27: {  	[tilespmem:$0x3860] =	vst v6  }
0x28: {  	s23 =	simm.s32 $0x0;
	[tilespmem:$0x3870] =	vst v7  }
.LBB2_2:
0x29: {  	_ =	swait.ge [sflag:s15], $0x4000  }
0x2a: {  	s24 =	sshll.u32 s23, $0xA;
	[sflag:s15] =	ssyncset.done $0x0  }
0x2b: {  	s25 =	sshrl.u32 s24, $0x2;
	[sflag:s15] =	ssyncadd.s32 $0xFFFFC000  }
0x2c: {  	v12 =	vld [tilespmem:s25+$0x1C00]  }
0x2d: {  	v13 =	vld [tilespmem:s25+$0x1C10]  }
0x2e: {  	v14 =	vld [tilespmem:s25+$0x1C20]  }
0x2f: {  	v15 =	vld [tilespmem:s25+$0x1C30]  }
0x30: {  	v11 =	vld [tilespmem:s25+$0x1C40]  }
0x31: {  	v10 =	vld [tilespmem:s25+$0x1C50]  }
0x32: {  	p0 =	seq.s32 s23, $0x0;
	v8 =	vld [tilespmem:s25+$0x1C60]  }
0x33: {  	v9 =	vld [tilespmem:s25+$0x1C70];
	s25 =	simm.s32 @!p0 $0x3  }
0x34: {  	_ =	swait.ge @!p0 [sflag:s25], $0x4000  }
0x35: {  	[sflag:s25] =	ssyncset.done @!p0 $0x0  }
0x36: {  	s28 =	simm.s32 $0x3A80;
	[sflag:s25] =	ssyncadd.s32 @!p0 $0xFFFFC000  }
0x37: {  	v16 =	vld [tilespmem:s28+$0xF0]  }
0x38: {  	v17 =	vld [tilespmem:s28+$0x80]  }
0x39: {  	v18 =	vld [tilespmem:s28+$0x90]  }
0x3a: {  	v19 =	vld [tilespmem:s28+$0xA0]  }
0x3b: {  	v20 =	vld [tilespmem:s28+$0xB0]  }
0x3c: {  	v21 =	vld [tilespmem:s28+$0xC0]  }
0x3d: {  	v22 =	vld [tilespmem:s28+$0xD0]  }
0x3e: {  	v23 =	vld [tilespmem:s28+$0xE0]  }
0x3f: {  	v24 =	vld [tilespmem:s28+$0xFFFFFF10]  }
0x40: {  	v25 =	vld [tilespmem:s28+$0xFFFFFF20]  }
0x41: {  	v26 =	vld [tilespmem:s28+$0xFFFFFF30]  }
0x42: {  	v27 =	vld [tilespmem:s28+$0xFFFFFF40]  }
0x43: {  	v28 =	vld [tilespmem:s28+$0xFFFFFF50];
	v16 =	vadd.f32 v16, v9  }
0x44: {  	s25 =	simm.s32 $0xBA80;
	v29 =	vld [tilespmem:s28+$0xFFFFFF60];
	v17 =	vadd.f32 v17, v12  }
0x45: {  	v18 =	vadd.f32 v18, v13;
	[tilespmem:s25+$0xF0] =	vst v16;
	v16 =	vld [tilespmem:s28+$0xFFFFFF80]  }
0x46: {  	v19 =	vadd.f32 v19, v14;
	[tilespmem:s25+$0x80] =	vst v17;
	v17 =	vld [tilespmem:s28+$0xFFFFFF90]  }
0x47: {  	v20 =	vadd.f32 v20, v15;
	[tilespmem:s25+$0x90] =	vst v18;
	v18 =	vld [tilespmem:s28+$0xFFFFFFA0]  }
0x48: {  	v21 =	vadd.f32 v21, v11;
	[tilespmem:s25+$0xA0] =	vst v19;
	v19 =	vld [tilespmem:s28+$0xFFFFFFB0]  }
0x49: {  	v22 =	vadd.f32 v22, v10;
	[tilespmem:s25+$0xB0] =	vst v20;
	v20 =	vld [tilespmem:s28+$0xFFFFFFC0]  }
0x4a: {  	v23 =	vadd.f32 v23, v8;
	[tilespmem:s25+$0xC0] =	vst v21;
	v21 =	vld [tilespmem:s28+$0xFFFFFFD0]  }
0x4b: {  	[tilespmem:s25+$0xD0] =	vst v22;
	v22 =	vld [tilespmem:s28+$0xFFFFFFE0];
	v16 =	vadd.f32 v16, v12  }
0x4c: {  	[tilespmem:s25+$0xE0] =	vst v23;
	v23 =	vld [tilespmem:s28+$0xFFFFFFF0];
	v17 =	vadd.f32 v17, v13  }
0x4d: {  	v31 =	vld [tilespmem:s28+$0x0];
	v18 =	vadd.f32 v18, v14;
	[tilespmem:s25+$0xFFFFFF80] =	vst v16  }
0x4e: {  	v30 =	vld [tilespmem:s28+$0xFFFFFF70];
	v16 =	vadd.f32 v19, v15;
	[tilespmem:s25+$0xFFFFFF90] =	vst v17  }
0x4f: {  	v32 =	vld [tilespmem:s28+$0x10];
	v17 =	vadd.f32 v20, v11;
	[tilespmem:s25+$0xFFFFFFA0] =	vst v18  }
0x50: {  	v33 =	vld [tilespmem:s28+$0x20];
	v24 =	vadd.f32 v24, v13;
	v18 =	vadd.f32 v21, v10;
	[tilespmem:s25+$0xFFFFFFB0] =	vst v16  }
0x51: {  	v34 =	vld [tilespmem:s28+$0x30];
	v19 =	vadd.f32 v22, v8;
	v21 =	vadd.f32 v23, v9;
	[tilespmem:s25+$0xFFFFFFC0] =	vst v17  }
0x52: {  	v23 =	vadd.f32 v31, v12;
	v16 =	vadd.f32 v25, v14;
	v25 =	vld [tilespmem:s28+$0x40];
	[tilespmem:s25+$0xFFFFFFD0] =	vst v18  }
0x53: {  	v20 =	vadd.f32 v28, v10;
	v17 =	vadd.f32 v26, v15;
	v26 =	vld [tilespmem:s28+$0x50];
	[tilespmem:s25+$0xFFFFFFE0] =	vst v19  }
0x54: {  	v22 =	vadd.f32 v32, v13;
	v18 =	vadd.f32 v27, v11;
	v27 =	vld [tilespmem:s28+$0x60];
	[tilespmem:s25+$0xFFFFFFF0] =	vst v21  }
0x55: {  	s26 =	sshll.u32 s23, $0x1;
	v28 =	vld [tilespmem:s28+$0x70];
	v19 =	vadd.f32 v29, v8;
	v21 =	vadd.f32 v30, v9;
	[tilespmem:s25+$0x0] =	vst v23  }
0x56: {  	s29 =	simm.s32 $0x0;
	s30 =	simm.s32 $0x3C80;
	v29 =	vld [tilespmem:s28+$0xFFFFFF00];
	v23 =	vadd.f32 v33, v14;
	[tilespmem:s25+$0xFFFFFF10] =	vst v24;
	v24 =	vadd.f32 v34, v15;
	s28 =	simm.s32 $0xBA80  }
.LBB2_3:
0x57: {  	v30 =	vld [tilespmem:s30+$0xF0];
	s29 =	sadd.s32 $0x4, s29;
	[tilespmem:s25+$0xFFFFFF20] =	vst v16;
	v16 =	vadd.f32 v25, v11  }
0x58: {  	v25 =	vld [tilespmem:s30+$0x80];
	p1 =	slt.u32 s29, $0x7C;
	[tilespmem:s25+$0xFFFFFF30] =	vst v17;
	v17 =	vadd.f32 v26, v10  }
0x59: {  	v26 =	vld [tilespmem:s30+$0x90];
	[tilespmem:s25+$0xFFFFFF40] =	vst v18;
	v18 =	vadd.f32 v27, v8  }
0x5a: {  	v27 =	vld [tilespmem:s30+$0xA0];
	[tilespmem:s25+$0xFFFFFF50] =	vst v20;
	v20 =	vadd.f32 v28, v9  }
0x5b: {  	v28 =	vld [tilespmem:s30+$0xB0];
	v29 =	vadd.f32 v29, v12;
	[tilespmem:s25+$0xFFFFFF60] =	vst v19  }
0x5c: {  	v19 =	vld [tilespmem:s30+$0xC0];
	v30 =	vadd.f32 v30, v9;
	[tilespmem:s25+$0xFFFFFF70] =	vst v21  }
0x5d: {  	s25 =	sadd.s32 $0x200, s25;
	v21 =	vadd.f32 v25, v12;
	v25 =	vld [tilespmem:s30+$0xD0];
	[tilespmem:s28+$0xFFFFFF00] =	vst v29  }
0x5e: {  	v26 =	vadd.f32 v26, v13;
	v29 =	vld [tilespmem:s30+$0xE0];
	[tilespmem:s25+$0xF0] =	vst v30  }
0x5f: {  	v30 =	vld [tilespmem:s30+$0xFFFFFF10];
	v27 =	vadd.f32 v27, v14;
	[tilespmem:s28+$0x10] =	vst v22  }
0x60: {  	v22 =	vld [tilespmem:s30+$0xFFFFFF20];
	v28 =	vadd.f32 v28, v15;
	[tilespmem:s28+$0x20] =	vst v23  }
0x61: {  	v23 =	vld [tilespmem:s30+$0xFFFFFF30];
	v31 =	vadd.f32 v19, v11;
	[tilespmem:s28+$0x30] =	vst v24  }
0x62: {  	v19 =	vld [tilespmem:s30+$0xFFFFFF40];
	v24 =	vadd.f32 v25, v10;
	[tilespmem:s28+$0x40] =	vst v16  }
0x63: {  	v25 =	vld [tilespmem:s30+$0xFFFFFF50];
	v29 =	vadd.f32 v29, v8;
	[tilespmem:s28+$0x50] =	vst v17  }
0x64: {  	v30 =	vadd.f32 v30, v13;
	v32 =	vld [tilespmem:s30+$0xFFFFFF60];
	[tilespmem:s28+$0x60] =	vst v18  }
0x65: {  	v16 =	vadd.f32 v22, v14;
	v22 =	vld [tilespmem:s30+$0xFFFFFF70];
	[tilespmem:s28+$0x70] =	vst v20;
	s28 =	smov.u32 s25  }
0x66: {  	v17 =	vadd.f32 v23, v15;
	v23 =	vld [tilespmem:s30+$0xFFFFFF80];
	[tilespmem:s25+$0x80] =	vst v21  }
0x67: {  	v18 =	vadd.f32 v19, v11;
	v33 =	vld [tilespmem:s30+$0xFFFFFF90];
	[tilespmem:s25+$0x90] =	vst v26  }
0x68: {  	v20 =	vadd.f32 v25, v10;
	v25 =	vld [tilespmem:s30+$0xFFFFFFA0];
	[tilespmem:s25+$0xA0] =	vst v27  }
0x69: {  	v19 =	vadd.f32 v32, v8;
	v26 =	vld [tilespmem:s30+$0xFFFFFFB0];
	[tilespmem:s25+$0xB0] =	vst v28  }
0x6a: {  	v21 =	vadd.f32 v22, v9;
	v22 =	vld [tilespmem:s30+$0xFFFFFFC0];
	[tilespmem:s25+$0xC0] =	vst v31  }
0x6b: {  	v23 =	vadd.f32 v23, v12;
	v27 =	vld [tilespmem:s30+$0xFFFFFFD0];
	[tilespmem:s25+$0xD0] =	vst v24  }
0x6c: {  	v24 =	vadd.f32 v33, v13;
	v28 =	vld [tilespmem:s30+$0xFFFFFFE0];
	[tilespmem:s25+$0xE0] =	vst v29  }
0x6d: {  	v25 =	vadd.f32 v25, v14;
	v29 =	vld [tilespmem:s30+$0xFFFFFFF0];
	[tilespmem:s25+$0xFFFFFF80] =	vst v23  }
0x6e: {  	v23 =	vadd.f32 v26, v15;
	[tilespmem:s25+$0xFFFFFF90] =	vst v24;
	v24 =	vld [tilespmem:s30+$0x0]  }
0x6f: {  	v22 =	vadd.f32 v22, v11;
	[tilespmem:s25+$0xFFFFFFA0] =	vst v25;
	v31 =	vld [tilespmem:s30+$0x10]  }
0x70: {  	v25 =	vadd.f32 v27, v10;
	[tilespmem:s25+$0xFFFFFFB0] =	vst v23;
	v23 =	vld [tilespmem:s30+$0x20]  }
0x71: {  	v26 =	vadd.f32 v28, v8;
	[tilespmem:s25+$0xFFFFFFC0] =	vst v22;
	v32 =	vld [tilespmem:s30+$0x30]  }
.Ltmp0:
0x72: {  	v22 =	vadd.f32 v29, v9;
	[tilespmem:s25+$0xFFFFFFD0] =	vst v25;
	v25 =	vld [tilespmem:s30+$0x40];
	(pc) =	sbr.rel @p1 .LBB2_3-.Ltmp0, $4  }
0x73: {  	[tilespmem:s25+$0xFFFFFFE0] =	vst v26;
	v24 =	vadd.f32 v24, v12;
	v26 =	vld [tilespmem:s30+$0x50]  }
0x74: {  	[tilespmem:s25+$0xFFFFFFF0] =	vst v22;
	v22 =	vadd.f32 v31, v13;
	v27 =	vld [tilespmem:s30+$0x60]  }
0x75: {  	v23 =	vadd.f32 v23, v14;
	v28 =	vld [tilespmem:s30+$0x70];
	[tilespmem:s25+$0x0] =	vst v24  }
0x76: {  	v29 =	vld [tilespmem:s30+$0xFFFFFF00];
	[tilespmem:s25+$0xFFFFFF10] =	vst v30;
	v24 =	vadd.f32 v32, v15;
	s30 =	sadd.s32 $0x200, s30  }
0x77: {  	[tilespmem:s25+$0xFFFFFF20] =	vst v16  }
0x78: {  	[tilespmem:s25+$0xFFFFFF30] =	vst v17  }
0x79: {  	[tilespmem:s25+$0xFFFFFF40] =	vst v18  }
0x7a: {  	[tilespmem:s25+$0xFFFFFF50] =	vst v20  }
0x7b: {  	[tilespmem:s25+$0xFFFFFF60] =	vst v19  }
0x7c: {  	[tilespmem:s25+$0xFFFFFF70] =	vst v21  }
0x7d: {  	[tilespmem:s28+$0x10] =	vst v22  }
0x7e: {  	v11 =	vadd.f32 v25, v11;
	[tilespmem:s28+$0x20] =	vst v23  }
0x7f: {  	v10 =	vadd.f32 v26, v10;
	[tilespmem:s28+$0x30] =	vst v24  }
0x80: {  	v8 =	vadd.f32 v27, v8;
	[tilespmem:s28+$0x40] =	vst v11  }
0x81: {  	v9 =	vadd.f32 v28, v9;
	[tilespmem:s28+$0x50] =	vst v10  }
0x82: {  	p1 =	seq.s32 s23, $0x18;
	v12 =	vadd.f32 v29, v12;
	[tilespmem:s28+$0x60] =	vst v8  }
0x83: {  	s24 =	sshrl.u32 @!p1 s24, $0x2;
	[tilespmem:s28+$0x70] =	vst v9  }
0x84: {  	s29 =	simm.s32 @!p1 $0x3980;
	s25 =	sadd.s32 @!p1 $0x100, s24;
	[tilespmem:s28+$0xFFFFFF00] =	vst v12;
	s28 =	simm.s32 @!p1 $0x80  }
0x85: {  	[tilespmem:s29], [sflag:$0x1] =	stream.indirect.gather @!p1 [hbm4b:s1+s28], $0x80, s25, s28, $0xb8;
	[tilespmem:$0x13980] =	vst v63  }
0x86: {  	v8 =	vld [tilespmem:$0x3800]  }
0x87: {  	v9 =	vld [tilespmem:$0x3810]  }
0x88: {  	v10 =	vld [tilespmem:$0x3820]  }
0x89: {  	v11 =	vld [tilespmem:$0x3830]  }
0x8a: {  	s31 =	sadd.s32 s7, s26;
	v12 =	vld [tilespmem:$0x3840]  }
0x8b: {  	v13 =	vld [tilespmem:$0x3850];
	v8 =	vadd.s32 s31, v8  }
0x8c: {  	[tilespmem:$0x3880] =	vst v8;
	v8 =	vadd.s32 s31, v9;
	v9 =	vld [tilespmem:$0x3860]  }
0x8d: {  	[tilespmem:$0x3890] =	vst v8;
	v8 =	vadd.s32 s31, v10;
	v10 =	vld [tilespmem:$0x3870]  }
0x8e: {  	[tilespmem:$0x38A0] =	vst v8;
	v8 =	vadd.s32 s31, v11  }
0x8f: {  	[tilespmem:$0x38B0] =	vst v8;
	v8 =	vadd.s32 s31, v12  }
0x90: {  	[tilespmem:$0x38C0] =	vst v8;
	v8 =	vadd.s32 s31, v13  }
0x91: {  	[tilespmem:$0x38D0] =	vst v8;
	v8 =	vadd.s32 s31, v9  }
0x92: {  	[tilespmem:$0x38E0] =	vst v8;
	v8 =	vadd.s32 s31, v10  }
0x93: {  	[tilespmem:$0x38F0] =	vst v8  }
0x94: {  	[hbm4b:s3+s11] =	stream.indirect.scatter [tilespmem:s17], [sflag:$0x3], $0x80, s16, s11, $0xb8;
	[tilespmem:$0x13980] =	vst v63  }
0x95: {  	s25 =	sor.u32 $0x1, s26;
	_ =	swait.ge [sflag:s18], $0x4000  }
0x96: {  	s26 =	sshll.u32 s25, $0x7;
	[sflag:s18] =	ssyncset.done $0x0  }
0x97: {  	s26 =	sand.u32 $0x3FFFFF80, s26;
	[sflag:s18] =	ssyncadd.s32 $0xFFFFC000  }
0x98: {  	v12 =	vld [tilespmem:s26+$0x1C00]  }
0x99: {  	v13 =	vld [tilespmem:s26+$0x1C10]  }
0x9a: {  	v14 =	vld [tilespmem:s26+$0x1C20]  }
0x9b: {  	v15 =	vld [tilespmem:s26+$0x1C30]  }
0x9c: {  	v11 =	vld [tilespmem:s26+$0x1C40]  }
0x9d: {  	v10 =	vld [tilespmem:s26+$0x1C50]  }
0x9e: {  	v9 =	vld [tilespmem:s26+$0x1C60]  }
0x9f: {  	v8 =	vld [tilespmem:s26+$0x1C70];
	s26 =	simm.s32 @!p0 $0x4  }
0xa0: {  	_ =	swait.ge @!p0 [sflag:s26], $0x4000  }
0xa1: {  	[sflag:s26] =	ssyncset.done @!p0 $0x0  }
0xa2: {  	s28 =	simm.s32 $0x7A80;
	[sflag:s26] =	ssyncadd.s32 @!p0 $0xFFFFC000  }
0xa3: {  	v16 =	vld [tilespmem:s28+$0xF0]  }
0xa4: {  	v17 =	vld [tilespmem:s28+$0x80]  }
0xa5: {  	v18 =	vld [tilespmem:s28+$0x90]  }
0xa6: {  	v19 =	vld [tilespmem:s28+$0xA0]  }
0xa7: {  	v20 =	vld [tilespmem:s28+$0xB0]  }
0xa8: {  	v21 =	vld [tilespmem:s28+$0xC0]  }
0xa9: {  	v22 =	vld [tilespmem:s28+$0xD0]  }
0xaa: {  	v23 =	vld [tilespmem:s28+$0xE0]  }
0xab: {  	v24 =	vld [tilespmem:s28+$0xFFFFFF10]  }
0xac: {  	v25 =	vld [tilespmem:s28+$0xFFFFFF20]  }
0xad: {  	v26 =	vld [tilespmem:s28+$0xFFFFFF30]  }
0xae: {  	v27 =	vld [tilespmem:s28+$0xFFFFFF40]  }
0xaf: {  	v28 =	vld [tilespmem:s28+$0xFFFFFF50];
	v16 =	vadd.f32 v16, v8  }
0xb0: {  	s26 =	simm.s32 $0xFA80;
	v29 =	vld [tilespmem:s28+$0xFFFFFF60];
	v17 =	vadd.f32 v17, v12  }
0xb1: {  	v18 =	vadd.f32 v18, v13;
	[tilespmem:s26+$0xF0] =	vst v16;
	v16 =	vld [tilespmem:s28+$0xFFFFFF80]  }
0xb2: {  	v19 =	vadd.f32 v19, v14;
	[tilespmem:s26+$0x80] =	vst v17;
	v17 =	vld [tilespmem:s28+$0xFFFFFF90]  }
0xb3: {  	v20 =	vadd.f32 v20, v15;
	[tilespmem:s26+$0x90] =	vst v18;
	v18 =	vld [tilespmem:s28+$0xFFFFFFA0]  }
0xb4: {  	v21 =	vadd.f32 v21, v11;
	[tilespmem:s26+$0xA0] =	vst v19;
	v19 =	vld [tilespmem:s28+$0xFFFFFFB0]  }
0xb5: {  	v22 =	vadd.f32 v22, v10;
	[tilespmem:s26+$0xB0] =	vst v20;
	v20 =	vld [tilespmem:s28+$0xFFFFFFC0]  }
0xb6: {  	v23 =	vadd.f32 v23, v9;
	[tilespmem:s26+$0xC0] =	vst v21;
	v21 =	vld [tilespmem:s28+$0xFFFFFFD0]  }
0xb7: {  	[tilespmem:s26+$0xD0] =	vst v22;
	v22 =	vld [tilespmem:s28+$0xFFFFFFE0];
	v16 =	vadd.f32 v16, v12  }
0xb8: {  	[tilespmem:s26+$0xE0] =	vst v23;
	v23 =	vld [tilespmem:s28+$0xFFFFFFF0];
	v17 =	vadd.f32 v17, v13  }
0xb9: {  	v31 =	vld [tilespmem:s28+$0x0];
	v18 =	vadd.f32 v18, v14;
	[tilespmem:s26+$0xFFFFFF80] =	vst v16  }
0xba: {  	v30 =	vld [tilespmem:s28+$0xFFFFFF70];
	v16 =	vadd.f32 v19, v15;
	[tilespmem:s26+$0xFFFFFF90] =	vst v17  }
0xbb: {  	v32 =	vld [tilespmem:s28+$0x10];
	v17 =	vadd.f32 v20, v11;
	[tilespmem:s26+$0xFFFFFFA0] =	vst v18  }
0xbc: {  	v33 =	vld [tilespmem:s28+$0x20];
	v24 =	vadd.f32 v24, v13;
	v18 =	vadd.f32 v21, v10;
	[tilespmem:s26+$0xFFFFFFB0] =	vst v16  }
0xbd: {  	v34 =	vld [tilespmem:s28+$0x30];
	v19 =	vadd.f32 v22, v9;
	v21 =	vadd.f32 v23, v8;
	[tilespmem:s26+$0xFFFFFFC0] =	vst v17  }
0xbe: {  	v23 =	vadd.f32 v31, v12;
	v16 =	vadd.f32 v25, v14;
	v25 =	vld [tilespmem:s28+$0x40];
	[tilespmem:s26+$0xFFFFFFD0] =	vst v18  }
0xbf: {  	v20 =	vadd.f32 v28, v10;
	v17 =	vadd.f32 v26, v15;
	v26 =	vld [tilespmem:s28+$0x50];
	[tilespmem:s26+$0xFFFFFFE0] =	vst v19  }
0xc0: {  	v22 =	vadd.f32 v32, v13;
	v18 =	vadd.f32 v27, v11;
	v27 =	vld [tilespmem:s28+$0x60];
	[tilespmem:s26+$0xFFFFFFF0] =	vst v21  }
0xc1: {  	v28 =	vld [tilespmem:s28+$0x70];
	v19 =	vadd.f32 v29, v9;
	v21 =	vadd.f32 v30, v8;
	[tilespmem:s26+$0x0] =	vst v23  }
0xc2: {  	s30 =	simm.s32 $0x7C80;
	s29 =	simm.s32 $0x0;
	v29 =	vld [tilespmem:s28+$0xFFFFFF00];
	v23 =	vadd.f32 v33, v14;
	[tilespmem:s26+$0xFFFFFF10] =	vst v24;
	v24 =	vadd.f32 v34, v15;
	s28 =	simm.s32 $0xFA80  }
.LBB2_5:
0xc3: {  	v30 =	vld [tilespmem:s30+$0xF0];
	s29 =	sadd.s32 $0x4, s29;
	[tilespmem:s26+$0xFFFFFF20] =	vst v16;
	v16 =	vadd.f32 v25, v11  }
0xc4: {  	v25 =	vld [tilespmem:s30+$0x80];
	p0 =	slt.u32 s29, $0x7C;
	[tilespmem:s26+$0xFFFFFF30] =	vst v17;
	v17 =	vadd.f32 v26, v10  }
0xc5: {  	v26 =	vld [tilespmem:s30+$0x90];
	[tilespmem:s26+$0xFFFFFF40] =	vst v18;
	v18 =	vadd.f32 v27, v9  }
0xc6: {  	v27 =	vld [tilespmem:s30+$0xA0];
	[tilespmem:s26+$0xFFFFFF50] =	vst v20;
	v20 =	vadd.f32 v28, v8  }
0xc7: {  	v28 =	vld [tilespmem:s30+$0xB0];
	v29 =	vadd.f32 v29, v12;
	[tilespmem:s26+$0xFFFFFF60] =	vst v19  }
0xc8: {  	v19 =	vld [tilespmem:s30+$0xC0];
	v30 =	vadd.f32 v30, v8;
	[tilespmem:s26+$0xFFFFFF70] =	vst v21  }
0xc9: {  	s26 =	sadd.s32 $0x200, s26;
	v21 =	vadd.f32 v25, v12;
	v25 =	vld [tilespmem:s30+$0xD0];
	[tilespmem:s28+$0xFFFFFF00] =	vst v29  }
0xca: {  	v26 =	vadd.f32 v26, v13;
	v29 =	vld [tilespmem:s30+$0xE0];
	[tilespmem:s26+$0xF0] =	vst v30  }
0xcb: {  	v30 =	vld [tilespmem:s30+$0xFFFFFF10];
	v27 =	vadd.f32 v27, v14;
	[tilespmem:s28+$0x10] =	vst v22  }
0xcc: {  	v22 =	vld [tilespmem:s30+$0xFFFFFF20];
	v28 =	vadd.f32 v28, v15;
	[tilespmem:s28+$0x20] =	vst v23  }
0xcd: {  	v23 =	vld [tilespmem:s30+$0xFFFFFF30];
	v31 =	vadd.f32 v19, v11;
	[tilespmem:s28+$0x30] =	vst v24  }
0xce: {  	v19 =	vld [tilespmem:s30+$0xFFFFFF40];
	v24 =	vadd.f32 v25, v10;
	[tilespmem:s28+$0x40] =	vst v16  }
0xcf: {  	v25 =	vld [tilespmem:s30+$0xFFFFFF50];
	v29 =	vadd.f32 v29, v9;
	[tilespmem:s28+$0x50] =	vst v17  }
0xd0: {  	v30 =	vadd.f32 v30, v13;
	v32 =	vld [tilespmem:s30+$0xFFFFFF60];
	[tilespmem:s28+$0x60] =	vst v18  }
0xd1: {  	v16 =	vadd.f32 v22, v14;
	v22 =	vld [tilespmem:s30+$0xFFFFFF70];
	[tilespmem:s28+$0x70] =	vst v20;
	s28 =	smov.u32 s26  }
0xd2: {  	v17 =	vadd.f32 v23, v15;
	v23 =	vld [tilespmem:s30+$0xFFFFFF80];
	[tilespmem:s26+$0x80] =	vst v21  }
0xd3: {  	v18 =	vadd.f32 v19, v11;
	v33 =	vld [tilespmem:s30+$0xFFFFFF90];
	[tilespmem:s26+$0x90] =	vst v26  }
0xd4: {  	v20 =	vadd.f32 v25, v10;
	v25 =	vld [tilespmem:s30+$0xFFFFFFA0];
	[tilespmem:s26+$0xA0] =	vst v27  }
0xd5: {  	v19 =	vadd.f32 v32, v9;
	v26 =	vld [tilespmem:s30+$0xFFFFFFB0];
	[tilespmem:s26+$0xB0] =	vst v28  }
0xd6: {  	v21 =	vadd.f32 v22, v8;
	v22 =	vld [tilespmem:s30+$0xFFFFFFC0];
	[tilespmem:s26+$0xC0] =	vst v31  }
0xd7: {  	v23 =	vadd.f32 v23, v12;
	v27 =	vld [tilespmem:s30+$0xFFFFFFD0];
	[tilespmem:s26+$0xD0] =	vst v24  }
0xd8: {  	v24 =	vadd.f32 v33, v13;
	v28 =	vld [tilespmem:s30+$0xFFFFFFE0];
	[tilespmem:s26+$0xE0] =	vst v29  }
0xd9: {  	v25 =	vadd.f32 v25, v14;
	v29 =	vld [tilespmem:s30+$0xFFFFFFF0];
	[tilespmem:s26+$0xFFFFFF80] =	vst v23  }
0xda: {  	v23 =	vadd.f32 v26, v15;
	[tilespmem:s26+$0xFFFFFF90] =	vst v24;
	v24 =	vld [tilespmem:s30+$0x0]  }
0xdb: {  	v22 =	vadd.f32 v22, v11;
	[tilespmem:s26+$0xFFFFFFA0] =	vst v25;
	v31 =	vld [tilespmem:s30+$0x10]  }
0xdc: {  	v25 =	vadd.f32 v27, v10;
	[tilespmem:s26+$0xFFFFFFB0] =	vst v23;
	v23 =	vld [tilespmem:s30+$0x20]  }
0xdd: {  	v26 =	vadd.f32 v28, v9;
	[tilespmem:s26+$0xFFFFFFC0] =	vst v22;
	v32 =	vld [tilespmem:s30+$0x30]  }
.Ltmp1:
0xde: {  	v22 =	vadd.f32 v29, v8;
	[tilespmem:s26+$0xFFFFFFD0] =	vst v25;
	v25 =	vld [tilespmem:s30+$0x40];
	(pc) =	sbr.rel @p0 .LBB2_5-.Ltmp1, $4  }
0xdf: {  	[tilespmem:s26+$0xFFFFFFE0] =	vst v26;
	v24 =	vadd.f32 v24, v12;
	v26 =	vld [tilespmem:s30+$0x50]  }
0xe0: {  	[tilespmem:s26+$0xFFFFFFF0] =	vst v22;
	v22 =	vadd.f32 v31, v13;
	v27 =	vld [tilespmem:s30+$0x60]  }
0xe1: {  	v23 =	vadd.f32 v23, v14;
	v28 =	vld [tilespmem:s30+$0x70];
	[tilespmem:s26+$0x0] =	vst v24  }
0xe2: {  	v29 =	vld [tilespmem:s30+$0xFFFFFF00];
	[tilespmem:s26+$0xFFFFFF10] =	vst v30;
	v24 =	vadd.f32 v32, v15;
	s30 =	sadd.s32 $0x200, s30  }
0xe3: {  	[tilespmem:s26+$0xFFFFFF20] =	vst v16  }
0xe4: {  	[tilespmem:s26+$0xFFFFFF30] =	vst v17  }
0xe5: {  	[tilespmem:s26+$0xFFFFFF40] =	vst v18  }
0xe6: {  	[tilespmem:s26+$0xFFFFFF50] =	vst v20  }
0xe7: {  	[tilespmem:s26+$0xFFFFFF60] =	vst v19  }
0xe8: {  	[tilespmem:s26+$0xFFFFFF70] =	vst v21  }
0xe9: {  	[tilespmem:s28+$0x10] =	vst v22  }
0xea: {  	v11 =	vadd.f32 v25, v11;
	[tilespmem:s28+$0x20] =	vst v23  }
0xeb: {  	v10 =	vadd.f32 v26, v10;
	[tilespmem:s28+$0x30] =	vst v24  }
0xec: {  	v9 =	vadd.f32 v27, v9;
	[tilespmem:s28+$0x40] =	vst v11  }
0xed: {  	v8 =	vadd.f32 v28, v8;
	[tilespmem:s28+$0x50] =	vst v10  }
0xee: {  	v12 =	vadd.f32 v29, v12;
	[tilespmem:s28+$0x60] =	vst v9  }
0xef: {  	[tilespmem:s28+$0x70] =	vst v8  }
0xf0: {  	s24 =	sadd.s32 @!p1 $0x180, s24;
	s26 =	simm.s32 @!p1 $0x80;
	[tilespmem:s28+$0xFFFFFF00] =	vst v12;
	s28 =	simm.s32 @!p1 $0x7980  }
0xf1: {  	[tilespmem:s28], [sflag:$0x2] =	stream.indirect.gather @!p1 [hbm4b:s1+s26], $0x80, s24, s26, $0xb8;
	[tilespmem:$0x13980] =	vst v63  }
0xf2: {  	v8 =	vld [tilespmem:$0x3800]  }
0xf3: {  	v9 =	vld [tilespmem:$0x3810]  }
0xf4: {  	v10 =	vld [tilespmem:$0x3820]  }
0xf5: {  	v11 =	vld [tilespmem:$0x3830]  }
0xf6: {  	s31 =	sadd.s32 s7, s25;
	v12 =	vld [tilespmem:$0x3840]  }
0xf7: {  	v13 =	vld [tilespmem:$0x3850];
	v8 =	vadd.s32 s31, v8  }
0xf8: {  	v62 =	vld [tilespmem:$0x3860];
	[tilespmem:$0x3900] =	vst v8;
	v8 =	vadd.s32 s31, v9  }
0xf9: {  	v63 =	vld [tilespmem:$0x3870];
	[tilespmem:$0x3910] =	vst v8;
	v8 =	vadd.s32 s31, v10  }
0xfa: {  	s23 =	sadd.s32 $0x1, s23;
	[tilespmem:$0x3920] =	vst v8;
	v8 =	vadd.s32 s31, v11  }
0xfb: {  	p0 =	sne.s32 s23, $0x19;
	[tilespmem:$0x3930] =	vst v8;
	v8 =	vadd.s32 s31, v12  }
.Ltmp2:
0xfc: {  	[tilespmem:$0x3940] =	vst v8;
	v8 =	vadd.s32 s31, v13;
	(pc) =	sbr.rel @p0 .LBB2_2-.Ltmp2, $4  }
0xfd: {  	[tilespmem:$0x3950] =	vst v8;
	v8 =	vadd.s32 s31, v62  }
0xfe: {  	[tilespmem:$0x3960] =	vst v8;
	v8 =	vadd.s32 s31, v63  }
0xff: {  	[tilespmem:$0x3970] =	vst v8  }
0x100: {  	[hbm4b:s3+s11] =	stream.indirect.scatter [tilespmem:s20], [sflag:$0x4], $0x80, s19, s11, $0xb8;
	[tilespmem:$0x13980] =	vst v63  }
0x101: {  	s22 =	sadd.s32 $0x1, s22  }
0x102: {  	_ =	swait.ge [sflag:s21], $0x4000;
	p0 =	sne.s32 s22, s8  }
.Ltmp3:
0x103: {  	[sflag:s21] =	ssyncset.done $0x0;
	(pc) =	sbr.rel @p0 .LBB2_1-.Ltmp3, $4  }
0x104: {  	[sflag:s21] =	ssyncadd.s32 $0xFFFFC000  }
0x105: {  	_ =	swait.ge [sflag:s14], $0x4000  }
0x106: {  	[sflag:s14] =	ssyncset.done $0x0  }
0x107: {  	[sflag:s14] =	ssyncadd.s32 $0xFFFFC000  }
0x108: {  	_ =	sfence.sel $0x180000  }
0x109: {  	[bflag:$0x0] =	sbarrier.arrive $0xFFFF  }
0x10a: {  	p0 =	sne.s32 s0, $0x0;
	_ =	strace $0x90000047  }
0x10b: {  	s0 =	sadd.s32 @!p0 $0x100000, s2;
	[bflag:$0x2] =	sbarrier.arrive $0xFFFF  }
0x10c: {  	[sflag:s0] =	ssyncadd.tile.s32 @!p0 $0x1;
	_ =	shalt  }
.Lfunc_end2:
_tile_overlayer_lowered:
.L_overlay_start_2:
0x10d: {  	(tag) =	ssettag $0x2  }
0x10e: {  	s0 =	rddreg [dreg:$0x0];
	s2 =	stileid.u32  }
0x10f: {  	s1 =	rddreg [dreg:$0x1];
	p0 =	sne.s32 s2, $0x0  }
0x110: {  	s3 =	rddreg [dreg:$0x2];
	[bflag:$0x3] =	sbarrier.arrive $0xFFFF;
	s2 =	simm.s32 @!p0 $0x1C05  }
0x111: {  	[timem:s3], [sflag:s2] =	dma.local @!p0 [hbm:s0], s1  }
0x112: {  	s0 =	simm.s32 @!p0 $0x5  }
0x113: {  	_ =	swait.ge @!p0 [sflag:s0], s1  }
0x114: {  	s1 =	ssub.s32 @!p0 $0x0, s1;
	[sflag:s0] =	ssyncset.done @!p0 $0x0  }
0x115: {  	[sflag:s0] =	ssyncadd.s32 @!p0 s1  }
0x116: {  	[bflag:$0x3] =	sbarrier.arrive $0xFFFF  }
0x117: {  	_ =	shalt  }

</sc_bundles>
